<compile_context>
chip_gen: v7x
topology: tpu7x:2x2x1
jax: 0.10.2.dev20260603
libtpu: 0.0.44.dev20260713+nightly
codegen_flags: <defaults>
</compile_context>

<pallas_src>
import functools

import jax
import jax.numpy as jnp
from jax import lax
from jax.experimental import pallas as pl
from jax.experimental.pallas import tpu as pltpu
from jax.experimental.pallas import tpu_sc as plsc

NUM_CLASSES = 100000
EMBED_DIM = 128
BATCH = 16384
FIELDS = 100

NC = 2
NS = 16
NW = NC * NS

NUM_ROWS = BATCH * FIELDS
ROWS_PER_W = NUM_ROWS // NW
CHUNK = 128
N_CHUNKS = ROWS_PER_W // CHUNK
NBUF = 4
K = 2
N_ROUNDS = N_CHUNKS // NBUF


def _make_sc_gather():
    mesh = plsc.VectorSubcoreMesh(core_axis_name="c", subcore_axis_name="s")

    @functools.partial(
        pl.kernel,
        mesh=mesh,
        out_type=jax.ShapeDtypeStruct((NUM_ROWS, EMBED_DIM), jnp.float32),
        scratch_types=[
            pltpu.VMEM((N_CHUNKS, CHUNK), jnp.int32),
            pltpu.VMEM((NBUF, CHUNK, EMBED_DIM), jnp.float32),
            pltpu.SemaphoreType.DMA((NBUF,)),
            pltpu.SemaphoreType.DMA((NBUF,)),
        ],
        compiler_params=pltpu.CompilerParams(use_tc_tiling_on_sc=True),
    )
    def sc_gather(lab_hbm, tab_hbm, out_hbm, idx_v, rows_v, gsem, osem):
        wid = lax.axis_index("s") * NC + lax.axis_index("c")
        base = wid * ROWS_PER_W

        pltpu.sync_copy(lab_hbm.at[wid], idx_v)

        for b in range(NBUF):
            pltpu.async_copy(tab_hbm.at[idx_v.at[b]], rows_v.at[b],
                             gsem.at[b])

        def round_body(r, _):
            for b in range(NBUF):
                c = r * NBUF + b

                def refill():
                    bk = (b - K) % NBUF
                    ck = c - K
                    pltpu.make_async_copy(
                        rows_v.at[bk],
                        out_hbm.at[pl.ds(base + ck * CHUNK, CHUNK)],
                        osem.at[bk]).wait()

                    @pl.when(ck + NBUF < N_CHUNKS)
                    def _():
                        pltpu.async_copy(tab_hbm.at[idx_v.at[ck + NBUF]],
                                         rows_v.at[bk], gsem.at[bk])

                if b < K:
                    pl.when(r >= 1)(refill)
                else:
                    refill()

                pltpu.make_async_copy(tab_hbm.at[idx_v.at[c]], rows_v.at[b],
                                      gsem.at[b]).wait()
                pltpu.async_copy(rows_v.at[b],
                                 out_hbm.at[pl.ds(base + c * CHUNK, CHUNK)],
                                 osem.at[b])
            return 0

        lax.fori_loop(0, N_ROUNDS, round_body, 0)

        for c in range(N_CHUNKS - K, N_CHUNKS):
            b = c % NBUF
            pltpu.make_async_copy(rows_v.at[b],
                                  out_hbm.at[pl.ds(base + c * CHUNK, CHUNK)],
                                  osem.at[b]).wait()

    return sc_gather


_sc_gather = _make_sc_gather()


def kernel(labels, table):
    ids = labels.astype(jnp.int32).T.reshape(NW, N_CHUNKS, CHUNK)
    out = _sc_gather(ids, table)
    return out.reshape(FIELDS, BATCH, EMBED_DIM).transpose(1, 0, 2)

# --- scband reference (transcript-rebuilt; emitter-appended) ---
"""Pipeline reference for scband-label-embedding-51840255262817 (READ-ONLY COPY).

The authoritative reference and input builder live on the scoring server;
editing this copy changes nothing except your own understanding.
"""

import jax, jax.numpy as jnp
import numpy as np

NUM_CLASSES = 100000
EMBED_DIM = 128
BATCH = 16384
FIELDS = 100

def setup_inputs(seed: int = 0) -> dict:
    key = jax.random.key(seed)
    k1, k2 = jax.random.split(key)
    labels = jax.random.randint(k1, (BATCH, FIELDS), 0, NUM_CLASSES, dtype=jnp.int64 if jax.config.jax_enable_x64 else jnp.int32)
    # Keras Embedding default initializer is uniform(-0.05, 0.05)
    table = jax.random.uniform(k2, (NUM_CLASSES, EMBED_DIM), dtype=jnp.float32, minval=-0.05, maxval=0.05)
    return {"labels": labels, "table": table}

def reference(labels, table):
    # Embedding lookup: gather rows of the table by integer label ids.
    return jnp.take(table, labels, axis=0)

if __name__ == "__main__":
    import jax
    _d = setup_inputs()
    print(jax.jit(kernel)(*tuple(_d.values())))

</pallas_src>

<mosaic_0001>
#map = affine_map<(d0, d1) -> (0, 0, 0)>
#map1 = affine_map<(d0, d1) -> (0, 0)>
module attributes {stable_mosaic.version = 14 : i64} {
  func.func @sc_gather(%arg0: i32, %arg1: i32, %arg2: memref<32x400x128xi32, #tpu.memory_space<hbm>>, %arg3: memref<100000x128xf32, #tpu.memory_space<hbm>>, %arg4: memref<1638400x128xf32, #tpu.memory_space<hbm>>, %arg5: memref<400x128xi32, #tpu.memory_space<vmem>>, %arg6: memref<4x128x128xf32, #tpu.memory_space<vmem>>, %arg7: memref<4x!tpu.dma_semaphore, #tpu.memory_space<semaphore_mem>>, %arg8: memref<4x!tpu.dma_semaphore, #tpu.memory_space<semaphore_mem>>) attributes {dimension_semantics = [#tpu.dimension_semantics<core_parallel>, #tpu.dimension_semantics<subcore_parallel>], iteration_bounds = array<i64: 2, 16>, scalar_prefetch = 0 : i64, scratch_operands = 4 : i64, tpu.core_type = #tpu.core_type<sc_vector_subcore>, window_params = [{transform_indices = #map}, {transform_indices = #map1}, {transform_indices = #map1}]} {
    %mul3A = arith.constant 2 : i32
    %mul3A_0 = arith.muli %arg1, %mul3A : i32
    %add3A = arith.addi %mul3A_0, %arg0 : i32
    %mul3A_1 = arith.constant 51200 : i32
    %mul3A_2 = arith.muli %add3A, %mul3A_1 : i32
    "tpu.region"() ({
      %run_scoped3A = tpu.sem_alloc : memref<!tpu.dma_semaphore, #tpu.memory_space<semaphore_mem>>
      %dma_start3A_103 = arith.constant 0 : i32
      %dma_start3A_104 = arith.constant 0 : i32
      %dma_start3A_105 = tpu.memref_slice %arg2[%add3A, %dma_start3A_103, %dma_start3A_104] : memref<32x400x128xi32, #tpu.memory_space<hbm>> -> memref<1x400x128xi32, #tpu.memory_space<hbm>>
      %dma_start3A_106 = tpu.memref_squeeze %dma_start3A_105 : memref<1x400x128xi32, #tpu.memory_space<hbm>> -> memref<400x128xi32, #tpu.memory_space<hbm>>
      %dma_start3A_107 = arith.constant 0 : i32
      %dma_start3A_108 = arith.constant 0 : i32
      %dma_start3A_109 = tpu.memref_slice %arg2[%add3A, %dma_start3A_107, %dma_start3A_108] : memref<32x400x128xi32, #tpu.memory_space<hbm>> -> memref<1x400x128xi32, #tpu.memory_space<hbm>>
      %dma_start3A_110 = tpu.memref_squeeze %dma_start3A_109 : memref<1x400x128xi32, #tpu.memory_space<hbm>> -> memref<400x128xi32, #tpu.memory_space<hbm>>
      tpu.enqueue_dma source(%dma_start3A_110 : memref<400x128xi32, #tpu.memory_space<hbm>>) target(%arg5 : memref<400x128xi32, #tpu.memory_space<vmem>>) target_semaphore(%run_scoped3A : memref<!tpu.dma_semaphore, #tpu.memory_space<semaphore_mem>>)
      %dma_wait3A_111 = arith.constant 0 : i32
      %dma_wait3A_112 = arith.constant 0 : i32
      %dma_wait3A_113 = tpu.memref_slice %arg2[%add3A, %dma_wait3A_111, %dma_wait3A_112] : memref<32x400x128xi32, #tpu.memory_space<hbm>> -> memref<1x400x128xi32, #tpu.memory_space<hbm>>
      %dma_wait3A_114 = tpu.memref_squeeze %dma_wait3A_113 : memref<1x400x128xi32, #tpu.memory_space<hbm>> -> memref<400x128xi32, #tpu.memory_space<hbm>>
      %dma_wait3A_115 = arith.constant 0 : i32
      %dma_wait3A_116 = arith.constant 0 : i32
      %dma_wait3A_117 = tpu.memref_slice %arg2[%add3A, %dma_wait3A_115, %dma_wait3A_116] : memref<32x400x128xi32, #tpu.memory_space<hbm>> -> memref<1x400x128xi32, #tpu.memory_space<hbm>>
      %dma_wait3A_118 = tpu.memref_squeeze %dma_wait3A_117 : memref<1x400x128xi32, #tpu.memory_space<hbm>> -> memref<400x128xi32, #tpu.memory_space<hbm>>
      tpu.wait_dma2 semaphore(%run_scoped3A : memref<!tpu.dma_semaphore, #tpu.memory_space<semaphore_mem>>) src(%dma_wait3A_118 : memref<400x128xi32, #tpu.memory_space<hbm>>) dst(%arg5 : memref<400x128xi32, #tpu.memory_space<vmem>>)
      tpu.yield
    }) : () -> ()
    %dma_start3A = arith.constant 0 : i32
    %dma_start3A_3 = arith.constant 0 : i32
    %dma_start3A_4 = arith.constant 0 : i32
    %dma_start3A_5 = arith.constant 0 : i32
    %dma_start3A_6 = arith.constant 0 : i32
    %dma_start3A_7 = tpu.memref_slice %arg6[%dma_start3A_3, %dma_start3A_5, %dma_start3A_6] : memref<4x128x128xf32, #tpu.memory_space<vmem>> -> memref<1x128x128xf32, #tpu.memory_space<vmem>>
    %dma_start3A_8 = tpu.memref_squeeze %dma_start3A_7 : memref<1x128x128xf32, #tpu.memory_space<vmem>> -> memref<128x128xf32, #tpu.memory_space<vmem>>
    %dma_start3A_9 = arith.constant 0 : i32
    %dma_start3A_10 = tpu.memref_slice %arg5[%dma_start3A, %dma_start3A_9] : memref<400x128xi32, #tpu.memory_space<vmem>> -> memref<1x128xi32, #tpu.memory_space<vmem>>
    %dma_start3A_11 = tpu.memref_squeeze %dma_start3A_10 : memref<1x128xi32, #tpu.memory_space<vmem>> -> memref<128xi32, #tpu.memory_space<vmem>>
    %dma_start3A_12 = arith.constant 0 : i32
    %dma_start3A_13 = arith.constant 0 : i32
    %dma_start3A_14 = tpu.memref_slice %arg3[%dma_start3A_12, %dma_start3A_13] : memref<100000x128xf32, #tpu.memory_space<hbm>> -> memref<100000x128xf32, #tpu.memory_space<hbm>>
    %dma_start3A_15 = tpu.memref_slice %arg7[%dma_start3A_4] : memref<4x!tpu.dma_semaphore, #tpu.memory_space<semaphore_mem>> -> memref<1x!tpu.dma_semaphore, #tpu.memory_space<semaphore_mem>>
    %dma_start3A_16 = tpu.memref_squeeze %dma_start3A_15 : memref<1x!tpu.dma_semaphore, #tpu.memory_space<semaphore_mem>> -> memref<!tpu.dma_semaphore, #tpu.memory_space<semaphore_mem>>
    tpu.enqueue_indirect_dma source(%dma_start3A_14 : memref<100000x128xf32, #tpu.memory_space<hbm>>) target(%dma_start3A_8 : memref<128x128xf32, #tpu.memory_space<vmem>>) offsets(%dma_start3A_11 : memref<128xi32, #tpu.memory_space<vmem>>) semaphore(%dma_start3A_16 : memref<!tpu.dma_semaphore, #tpu.memory_space<semaphore_mem>>)
    %dma_start3A_17 = arith.constant 1 : i32
    %dma_start3A_18 = arith.constant 1 : i32
    %dma_start3A_19 = arith.constant 1 : i32
    %dma_start3A_20 = arith.constant 0 : i32
    %dma_start3A_21 = arith.constant 0 : i32
    %dma_start3A_22 = tpu.memref_slice %arg6[%dma_start3A_18, %dma_start3A_20, %dma_start3A_21] : memref<4x128x128xf32, #tpu.memory_space<vmem>> -> memref<1x128x128xf32, #tpu.memory_space<vmem>>
    %dma_start3A_23 = tpu.memref_squeeze %dma_start3A_22 : memref<1x128x128xf32, #tpu.memory_space<vmem>> -> memref<128x128xf32, #tpu.memory_space<vmem>>
    %dma_start3A_24 = arith.constant 0 : i32
    %dma_start3A_25 = tpu.memref_slice %arg5[%dma_start3A_17, %dma_start3A_24] : memref<400x128xi32, #tpu.memory_space<vmem>> -> memref<1x128xi32, #tpu.memory_space<vmem>>
    %dma_start3A_26 = tpu.memref_squeeze %dma_start3A_25 : memref<1x128xi32, #tpu.memory_space<vmem>> -> memref<128xi32, #tpu.memory_space<vmem>>
    %dma_start3A_27 = arith.constant 0 : i32
    %dma_start3A_28 = arith.constant 0 : i32
    %dma_start3A_29 = tpu.memref_slice %arg3[%dma_start3A_27, %dma_start3A_28] : memref<100000x128xf32, #tpu.memory_space<hbm>> -> memref<100000x128xf32, #tpu.memory_space<hbm>>
    %dma_start3A_30 = tpu.memref_slice %arg7[%dma_start3A_19] : memref<4x!tpu.dma_semaphore, #tpu.memory_space<semaphore_mem>> -> memref<1x!tpu.dma_semaphore, #tpu.memory_space<semaphore_mem>>
    %dma_start3A_31 = tpu.memref_squeeze %dma_start3A_30 : memref<1x!tpu.dma_semaphore, #tpu.memory_space<semaphore_mem>> -> memref<!tpu.dma_semaphore, #tpu.memory_space<semaphore_mem>>
    tpu.enqueue_indirect_dma source(%dma_start3A_29 : memref<100000x128xf32, #tpu.memory_space<hbm>>) target(%dma_start3A_23 : memref<128x128xf32, #tpu.memory_space<vmem>>) offsets(%dma_start3A_26 : memref<128xi32, #tpu.memory_space<vmem>>) semaphore(%dma_start3A_31 : memref<!tpu.dma_semaphore, #tpu.memory_space<semaphore_mem>>)
    %dma_start3A_32 = arith.constant 2 : i32
    %dma_start3A_33 = arith.constant 2 : i32
    %dma_start3A_34 = arith.constant 2 : i32
    %dma_start3A_35 = arith.constant 0 : i32
    %dma_start3A_36 = arith.constant 0 : i32
    %dma_start3A_37 = tpu.memref_slice %arg6[%dma_start3A_33, %dma_start3A_35, %dma_start3A_36] : memref<4x128x128xf32, #tpu.memory_space<vmem>> -> memref<1x128x128xf32, #tpu.memory_space<vmem>>
    %dma_start3A_38 = tpu.memref_squeeze %dma_start3A_37 : memref<1x128x128xf32, #tpu.memory_space<vmem>> -> memref<128x128xf32, #tpu.memory_space<vmem>>
    %dma_start3A_39 = arith.constant 0 : i32
    %dma_start3A_40 = tpu.memref_slice %arg5[%dma_start3A_32, %dma_start3A_39] : memref<400x128xi32, #tpu.memory_space<vmem>> -> memref<1x128xi32, #tpu.memory_space<vmem>>
    %dma_start3A_41 = tpu.memref_squeeze %dma_start3A_40 : memref<1x128xi32, #tpu.memory_space<vmem>> -> memref<128xi32, #tpu.memory_space<vmem>>
    %dma_start3A_42 = arith.constant 0 : i32
    %dma_start3A_43 = arith.constant 0 : i32
    %dma_start3A_44 = tpu.memref_slice %arg3[%dma_start3A_42, %dma_start3A_43] : memref<100000x128xf32, #tpu.memory_space<hbm>> -> memref<100000x128xf32, #tpu.memory_space<hbm>>
    %dma_start3A_45 = tpu.memref_slice %arg7[%dma_start3A_34] : memref<4x!tpu.dma_semaphore, #tpu.memory_space<semaphore_mem>> -> memref<1x!tpu.dma_semaphore, #tpu.memory_space<semaphore_mem>>
    %dma_start3A_46 = tpu.memref_squeeze %dma_start3A_45 : memref<1x!tpu.dma_semaphore, #tpu.memory_space<semaphore_mem>> -> memref<!tpu.dma_semaphore, #tpu.memory_space<semaphore_mem>>
    tpu.enqueue_indirect_dma source(%dma_start3A_44 : memref<100000x128xf32, #tpu.memory_space<hbm>>) target(%dma_start3A_38 : memref<128x128xf32, #tpu.memory_space<vmem>>) offsets(%dma_start3A_41 : memref<128xi32, #tpu.memory_space<vmem>>) semaphore(%dma_start3A_46 : memref<!tpu.dma_semaphore, #tpu.memory_space<semaphore_mem>>)
    %dma_start3A_47 = arith.constant 3 : i32
    %dma_start3A_48 = arith.constant 3 : i32
    %dma_start3A_49 = arith.constant 3 : i32
    %dma_start3A_50 = arith.constant 0 : i32
    %dma_start3A_51 = arith.constant 0 : i32
    %dma_start3A_52 = tpu.memref_slice %arg6[%dma_start3A_48, %dma_start3A_50, %dma_start3A_51] : memref<4x128x128xf32, #tpu.memory_space<vmem>> -> memref<1x128x128xf32, #tpu.memory_space<vmem>>
    %dma_start3A_53 = tpu.memref_squeeze %dma_start3A_52 : memref<1x128x128xf32, #tpu.memory_space<vmem>> -> memref<128x128xf32, #tpu.memory_space<vmem>>
    %dma_start3A_54 = arith.constant 0 : i32
    %dma_start3A_55 = tpu.memref_slice %arg5[%dma_start3A_47, %dma_start3A_54] : memref<400x128xi32, #tpu.memory_space<vmem>> -> memref<1x128xi32, #tpu.memory_space<vmem>>
    %dma_start3A_56 = tpu.memref_squeeze %dma_start3A_55 : memref<1x128xi32, #tpu.memory_space<vmem>> -> memref<128xi32, #tpu.memory_space<vmem>>
    %dma_start3A_57 = arith.constant 0 : i32
    %dma_start3A_58 = arith.constant 0 : i32
    %dma_start3A_59 = tpu.memref_slice %arg3[%dma_start3A_57, %dma_start3A_58] : memref<100000x128xf32, #tpu.memory_space<hbm>> -> memref<100000x128xf32, #tpu.memory_space<hbm>>
    %dma_start3A_60 = tpu.memref_slice %arg7[%dma_start3A_49] : memref<4x!tpu.dma_semaphore, #tpu.memory_space<semaphore_mem>> -> memref<1x!tpu.dma_semaphore, #tpu.memory_space<semaphore_mem>>
    %dma_start3A_61 = tpu.memref_squeeze %dma_start3A_60 : memref<1x!tpu.dma_semaphore, #tpu.memory_space<semaphore_mem>> -> memref<!tpu.dma_semaphore, #tpu.memory_space<semaphore_mem>>
    tpu.enqueue_indirect_dma source(%dma_start3A_59 : memref<100000x128xf32, #tpu.memory_space<hbm>>) target(%dma_start3A_53 : memref<128x128xf32, #tpu.memory_space<vmem>>) offsets(%dma_start3A_56 : memref<128xi32, #tpu.memory_space<vmem>>) semaphore(%dma_start3A_61 : memref<!tpu.dma_semaphore, #tpu.memory_space<semaphore_mem>>)
    %scan3A = arith.constant 0 : i32
    %scan3A_62 = arith.constant 0 : i32
    %scan3A_63 = arith.constant 100 : i32
    %scan3A_64 = arith.addi %scan3A_62, %scan3A_63 : i32
    %scan3A_65 = arith.constant 1 : i32
    %scan3A_66 = scf.for %scan3A_103 = %scan3A_62 to %scan3A_64 step %scan3A_65 iter_args(%scan3A_104 = %scan3A) -> (i32)  : i32 {
      %mul3A_105 = arith.constant 4 : i32
      %mul3A_106 = arith.muli %scan3A_103, %mul3A_105 : i32
      %add3A_107 = arith.constant 0 : i32
      %add3A_108 = arith.addi %mul3A_106, %add3A_107 : i32
      %ge3A = arith.constant 1 : i32
      %ge3A_109 = arith.cmpi sge, %scan3A_103, %ge3A : i32
      %convert_element_type3A = arith.extui %ge3A_109 : i1 to i32
      %cond3A = arith.constant 0 : i32
      %cond3A_110 = arith.cmpi ne, %convert_element_type3A, %cond3A : i32
      scf.if %cond3A_110 {
        %sub3A_315 = arith.constant 2 : i32
        %sub3A_316 = arith.subi %add3A_108, %sub3A_315 : i32
        %mul3A_317 = arith.constant 128 : i32
        %mul3A_318 = arith.muli %sub3A_316, %mul3A_317 : i32
        %add3A_319 = arith.addi %mul3A_2, %mul3A_318 : i32
        %dma_wait3A_320 = arith.constant 2 : i32
        %dma_wait3A_321 = arith.constant 2 : i32
        %dma_wait3A_322 = arith.constant 0 : i32
        %dma_wait3A_323 = arith.constant 0 : i32
        %dma_wait3A_324 = tpu.memref_slice %arg6[%dma_wait3A_320, %dma_wait3A_322, %dma_wait3A_323] : memref<4x128x128xf32, #tpu.memory_space<vmem>> -> memref<1x128x128xf32, #tpu.memory_space<vmem>>
        %dma_wait3A_325 = tpu.memref_squeeze %dma_wait3A_324 : memref<1x128x128xf32, #tpu.memory_space<vmem>> -> memref<128x128xf32, #tpu.memory_space<vmem>>
        %dma_wait3A_326 = arith.constant 0 : i32
        %dma_wait3A_327 = tpu.memref_slice %arg4[%add3A_319, %dma_wait3A_326] : memref<1638400x128xf32, #tpu.memory_space<hbm>> -> memref<128x128xf32, #tpu.memory_space<hbm>>
        %dma_wait3A_328 = tpu.memref_slice %arg8[%dma_wait3A_321] : memref<4x!tpu.dma_semaphore, #tpu.memory_space<semaphore_mem>> -> memref<1x!tpu.dma_semaphore, #tpu.memory_space<semaphore_mem>>
        %dma_wait3A_329 = tpu.memref_squeeze %dma_wait3A_328 : memref<1x!tpu.dma_semaphore, #tpu.memory_space<semaphore_mem>> -> memref<!tpu.dma_semaphore, #tpu.memory_space<semaphore_mem>>
        %dma_wait3A_330 = arith.constant 0 : i32
        %dma_wait3A_331 = tpu.memref_slice %arg4[%add3A_319, %dma_wait3A_330] : memref<1638400x128xf32, #tpu.memory_space<hbm>> -> memref<128x128xf32, #tpu.memory_space<hbm>>
        %dma_wait3A_332 = arith.constant 0 : i32
        %dma_wait3A_333 = arith.constant 0 : i32
        %dma_wait3A_334 = tpu.memref_slice %arg6[%dma_wait3A_320, %dma_wait3A_332, %dma_wait3A_333] : memref<4x128x128xf32, #tpu.memory_space<vmem>> -> memref<1x128x128xf32, #tpu.memory_space<vmem>>
        %dma_wait3A_335 = tpu.memref_squeeze %dma_wait3A_334 : memref<1x128x128xf32, #tpu.memory_space<vmem>> -> memref<128x128xf32, #tpu.memory_space<vmem>>
        tpu.wait_dma2 semaphore(%dma_wait3A_329 : memref<!tpu.dma_semaphore, #tpu.memory_space<semaphore_mem>>) src(%dma_wait3A_335 : memref<128x128xf32, #tpu.memory_space<vmem>>) dst(%dma_wait3A_331 : memref<128x128xf32, #tpu.memory_space<hbm>>)
        %add3A_336 = arith.constant 4 : i32
        %add3A_337 = arith.addi %sub3A_316, %add3A_336 : i32
        %lt3A_338 = arith.constant 400 : i32
        %lt3A_339 = arith.cmpi slt, %add3A_337, %lt3A_338 : i32
        %convert_element_type3A_340 = arith.extui %lt3A_339 : i1 to i32
        %cond3A_341 = arith.constant 0 : i32
        %cond3A_342 = arith.cmpi ne, %convert_element_type3A_340, %cond3A_341 : i32
        scf.if %cond3A_342 {
          %add3A_343 = arith.constant 4 : i32
          %add3A_344 = arith.addi %sub3A_316, %add3A_343 : i32
          %dma_start3A_345 = arith.constant 2 : i32
          %dma_start3A_346 = arith.constant 2 : i32
          %dma_start3A_347 = arith.constant 0 : i32
          %dma_start3A_348 = arith.constant 0 : i32
          %dma_start3A_349 = tpu.memref_slice %arg6[%dma_start3A_345, %dma_start3A_347, %dma_start3A_348] : memref<4x128x128xf32, #tpu.memory_space<vmem>> -> memref<1x128x128xf32, #tpu.memory_space<vmem>>
          %dma_start3A_350 = tpu.memref_squeeze %dma_start3A_349 : memref<1x128x128xf32, #tpu.memory_space<vmem>> -> memref<128x128xf32, #tpu.memory_space<vmem>>
          %dma_start3A_351 = arith.constant 0 : i32
          %dma_start3A_352 = tpu.memref_slice %arg5[%add3A_344, %dma_start3A_351] : memref<400x128xi32, #tpu.memory_space<vmem>> -> memref<1x128xi32, #tpu.memory_space<vmem>>
          %dma_start3A_353 = tpu.memref_squeeze %dma_start3A_352 : memref<1x128xi32, #tpu.memory_space<vmem>> -> memref<128xi32, #tpu.memory_space<vmem>>
          %dma_start3A_354 = arith.constant 0 : i32
          %dma_start3A_355 = arith.constant 0 : i32
          %dma_start3A_356 = tpu.memref_slice %arg3[%dma_start3A_354, %dma_start3A_355] : memref<100000x128xf32, #tpu.memory_space<hbm>> -> memref<100000x128xf32, #tpu.memory_space<hbm>>
          %dma_start3A_357 = tpu.memref_slice %arg7[%dma_start3A_346] : memref<4x!tpu.dma_semaphore, #tpu.memory_space<semaphore_mem>> -> memref<1x!tpu.dma_semaphore, #tpu.memory_space<semaphore_mem>>
          %dma_start3A_358 = tpu.memref_squeeze %dma_start3A_357 : memref<1x!tpu.dma_semaphore, #tpu.memory_space<semaphore_mem>> -> memref<!tpu.dma_semaphore, #tpu.memory_space<semaphore_mem>>
          tpu.enqueue_indirect_dma source(%dma_start3A_356 : memref<100000x128xf32, #tpu.memory_space<hbm>>) target(%dma_start3A_350 : memref<128x128xf32, #tpu.memory_space<vmem>>) offsets(%dma_start3A_353 : memref<128xi32, #tpu.memory_space<vmem>>) semaphore(%dma_start3A_358 : memref<!tpu.dma_semaphore, #tpu.memory_space<semaphore_mem>>)
        } else {
        }
      } else {
      }
      %dma_wait3A_111 = arith.constant 0 : i32
      %dma_wait3A_112 = arith.constant 0 : i32
      %dma_wait3A_113 = arith.constant 0 : i32
      %dma_wait3A_114 = arith.constant 0 : i32
      %dma_wait3A_115 = tpu.memref_slice %arg6[%dma_wait3A_111, %dma_wait3A_113, %dma_wait3A_114] : memref<4x128x128xf32, #tpu.memory_space<vmem>> -> memref<1x128x128xf32, #tpu.memory_space<vmem>>
      %dma_wait3A_116 = tpu.memref_squeeze %dma_wait3A_115 : memref<1x128x128xf32, #tpu.memory_space<vmem>> -> memref<128x128xf32, #tpu.memory_space<vmem>>
      %dma_wait3A_117 = arith.constant 0 : i32
      %dma_wait3A_118 = tpu.memref_slice %arg5[%add3A_108, %dma_wait3A_117] : memref<400x128xi32, #tpu.memory_space<vmem>> -> memref<1x128xi32, #tpu.memory_space<vmem>>
      %dma_wait3A_119 = tpu.memref_squeeze %dma_wait3A_118 : memref<1x128xi32, #tpu.memory_space<vmem>> -> memref<128xi32, #tpu.memory_space<vmem>>
      %dma_wait3A_120 = arith.constant 0 : i32
      %dma_wait3A_121 = arith.constant 0 : i32
      %dma_wait3A_122 = tpu.memref_slice %arg3[%dma_wait3A_120, %dma_wait3A_121] : memref<100000x128xf32, #tpu.memory_space<hbm>> -> memref<100000x128xf32, #tpu.memory_space<hbm>>
      %dma_wait3A_123 = tpu.memref_slice %arg7[%dma_wait3A_112] : memref<4x!tpu.dma_semaphore, #tpu.memory_space<semaphore_mem>> -> memref<1x!tpu.dma_semaphore, #tpu.memory_space<semaphore_mem>>
      %dma_wait3A_124 = tpu.memref_squeeze %dma_wait3A_123 : memref<1x!tpu.dma_semaphore, #tpu.memory_space<semaphore_mem>> -> memref<!tpu.dma_semaphore, #tpu.memory_space<semaphore_mem>>
      tpu.wait_indirect_dma semaphore(%dma_wait3A_124 : memref<!tpu.dma_semaphore, #tpu.memory_space<semaphore_mem>>) src(%dma_wait3A_122 : memref<100000x128xf32, #tpu.memory_space<hbm>>) dst(%dma_wait3A_116 : memref<128x128xf32, #tpu.memory_space<vmem>>)
      %mul3A_125 = arith.constant 128 : i32
      %mul3A_126 = arith.muli %add3A_108, %mul3A_125 : i32
      %add3A_127 = arith.addi %mul3A_2, %mul3A_126 : i32
      %dma_start3A_128 = arith.constant 0 : i32
      %dma_start3A_129 = arith.constant 0 : i32
      %dma_start3A_130 = arith.constant 0 : i32
      %dma_start3A_131 = arith.constant 0 : i32
      %dma_start3A_132 = tpu.memref_slice %arg6[%dma_start3A_128, %dma_start3A_130, %dma_start3A_131] : memref<4x128x128xf32, #tpu.memory_space<vmem>> -> memref<1x128x128xf32, #tpu.memory_space<vmem>>
      %dma_start3A_133 = tpu.memref_squeeze %dma_start3A_132 : memref<1x128x128xf32, #tpu.memory_space<vmem>> -> memref<128x128xf32, #tpu.memory_space<vmem>>
      %dma_start3A_134 = arith.constant 0 : i32
      %dma_start3A_135 = tpu.memref_slice %arg4[%add3A_127, %dma_start3A_134] : memref<1638400x128xf32, #tpu.memory_space<hbm>> -> memref<128x128xf32, #tpu.memory_space<hbm>>
      %dma_start3A_136 = tpu.memref_slice %arg8[%dma_start3A_129] : memref<4x!tpu.dma_semaphore, #tpu.memory_space<semaphore_mem>> -> memref<1x!tpu.dma_semaphore, #tpu.memory_space<semaphore_mem>>
      %dma_start3A_137 = tpu.memref_squeeze %dma_start3A_136 : memref<1x!tpu.dma_semaphore, #tpu.memory_space<semaphore_mem>> -> memref<!tpu.dma_semaphore, #tpu.memory_space<semaphore_mem>>
      %dma_start3A_138 = arith.constant 0 : i32
      %dma_start3A_139 = tpu.memref_slice %arg4[%add3A_127, %dma_start3A_138] : memref<1638400x128xf32, #tpu.memory_space<hbm>> -> memref<128x128xf32, #tpu.memory_space<hbm>>
      %dma_start3A_140 = arith.constant 0 : i32
      %dma_start3A_141 = arith.constant 0 : i32
      %dma_start3A_142 = tpu.memref_slice %arg6[%dma_start3A_128, %dma_start3A_140, %dma_start3A_141] : memref<4x128x128xf32, #tpu.memory_space<vmem>> -> memref<1x128x128xf32, #tpu.memory_space<vmem>>
      %dma_start3A_143 = tpu.memref_squeeze %dma_start3A_142 : memref<1x128x128xf32, #tpu.memory_space<vmem>> -> memref<128x128xf32, #tpu.memory_space<vmem>>
      tpu.enqueue_dma source(%dma_start3A_143 : memref<128x128xf32, #tpu.memory_space<vmem>>) target(%dma_start3A_139 : memref<128x128xf32, #tpu.memory_space<hbm>>) target_semaphore(%dma_start3A_137 : memref<!tpu.dma_semaphore, #tpu.memory_space<semaphore_mem>>)
      %mul3A_144 = arith.constant 4 : i32
      %mul3A_145 = arith.muli %scan3A_103, %mul3A_144 : i32
      %add3A_146 = arith.constant 1 : i32
      %add3A_147 = arith.addi %mul3A_145, %add3A_146 : i32
      %ge3A_148 = arith.constant 1 : i32
      %ge3A_149 = arith.cmpi sge, %scan3A_103, %ge3A_148 : i32
      %convert_element_type3A_150 = arith.extui %ge3A_149 : i1 to i32
      %cond3A_151 = arith.constant 0 : i32
      %cond3A_152 = arith.cmpi ne, %convert_element_type3A_150, %cond3A_151 : i32
      scf.if %cond3A_152 {
        %sub3A_315 = arith.constant 2 : i32
        %sub3A_316 = arith.subi %add3A_147, %sub3A_315 : i32
        %mul3A_317 = arith.constant 128 : i32
        %mul3A_318 = arith.muli %sub3A_316, %mul3A_317 : i32
        %add3A_319 = arith.addi %mul3A_2, %mul3A_318 : i32
        %dma_wait3A_320 = arith.constant 3 : i32
        %dma_wait3A_321 = arith.constant 3 : i32
        %dma_wait3A_322 = arith.constant 0 : i32
        %dma_wait3A_323 = arith.constant 0 : i32
        %dma_wait3A_324 = tpu.memref_slice %arg6[%dma_wait3A_320, %dma_wait3A_322, %dma_wait3A_323] : memref<4x128x128xf32, #tpu.memory_space<vmem>> -> memref<1x128x128xf32, #tpu.memory_space<vmem>>
        %dma_wait3A_325 = tpu.memref_squeeze %dma_wait3A_324 : memref<1x128x128xf32, #tpu.memory_space<vmem>> -> memref<128x128xf32, #tpu.memory_space<vmem>>
        %dma_wait3A_326 = arith.constant 0 : i32
        %dma_wait3A_327 = tpu.memref_slice %arg4[%add3A_319, %dma_wait3A_326] : memref<1638400x128xf32, #tpu.memory_space<hbm>> -> memref<128x128xf32, #tpu.memory_space<hbm>>
        %dma_wait3A_328 = tpu.memref_slice %arg8[%dma_wait3A_321] : memref<4x!tpu.dma_semaphore, #tpu.memory_space<semaphore_mem>> -> memref<1x!tpu.dma_semaphore, #tpu.memory_space<semaphore_mem>>
        %dma_wait3A_329 = tpu.memref_squeeze %dma_wait3A_328 : memref<1x!tpu.dma_semaphore, #tpu.memory_space<semaphore_mem>> -> memref<!tpu.dma_semaphore, #tpu.memory_space<semaphore_mem>>
        %dma_wait3A_330 = arith.constant 0 : i32
        %dma_wait3A_331 = tpu.memref_slice %arg4[%add3A_319, %dma_wait3A_330] : memref<1638400x128xf32, #tpu.memory_space<hbm>> -> memref<128x128xf32, #tpu.memory_space<hbm>>
        %dma_wait3A_332 = arith.constant 0 : i32
        %dma_wait3A_333 = arith.constant 0 : i32
        %dma_wait3A_334 = tpu.memref_slice %arg6[%dma_wait3A_320, %dma_wait3A_332, %dma_wait3A_333] : memref<4x128x128xf32, #tpu.memory_space<vmem>> -> memref<1x128x128xf32, #tpu.memory_space<vmem>>
        %dma_wait3A_335 = tpu.memref_squeeze %dma_wait3A_334 : memref<1x128x128xf32, #tpu.memory_space<vmem>> -> memref<128x128xf32, #tpu.memory_space<vmem>>
        tpu.wait_dma2 semaphore(%dma_wait3A_329 : memref<!tpu.dma_semaphore, #tpu.memory_space<semaphore_mem>>) src(%dma_wait3A_335 : memref<128x128xf32, #tpu.memory_space<vmem>>) dst(%dma_wait3A_331 : memref<128x128xf32, #tpu.memory_space<hbm>>)
        %add3A_336 = arith.constant 4 : i32
        %add3A_337 = arith.addi %sub3A_316, %add3A_336 : i32
        %lt3A_338 = arith.constant 400 : i32
        %lt3A_339 = arith.cmpi slt, %add3A_337, %lt3A_338 : i32
        %convert_element_type3A_340 = arith.extui %lt3A_339 : i1 to i32
        %cond3A_341 = arith.constant 0 : i32
        %cond3A_342 = arith.cmpi ne, %convert_element_type3A_340, %cond3A_341 : i32
        scf.if %cond3A_342 {
          %add3A_343 = arith.constant 4 : i32
          %add3A_344 = arith.addi %sub3A_316, %add3A_343 : i32
          %dma_start3A_345 = arith.constant 3 : i32
          %dma_start3A_346 = arith.constant 3 : i32
          %dma_start3A_347 = arith.constant 0 : i32
          %dma_start3A_348 = arith.constant 0 : i32
          %dma_start3A_349 = tpu.memref_slice %arg6[%dma_start3A_345, %dma_start3A_347, %dma_start3A_348] : memref<4x128x128xf32, #tpu.memory_space<vmem>> -> memref<1x128x128xf32, #tpu.memory_space<vmem>>
          %dma_start3A_350 = tpu.memref_squeeze %dma_start3A_349 : memref<1x128x128xf32, #tpu.memory_space<vmem>> -> memref<128x128xf32, #tpu.memory_space<vmem>>
          %dma_start3A_351 = arith.constant 0 : i32
          %dma_start3A_352 = tpu.memref_slice %arg5[%add3A_344, %dma_start3A_351] : memref<400x128xi32, #tpu.memory_space<vmem>> -> memref<1x128xi32, #tpu.memory_space<vmem>>
          %dma_start3A_353 = tpu.memref_squeeze %dma_start3A_352 : memref<1x128xi32, #tpu.memory_space<vmem>> -> memref<128xi32, #tpu.memory_space<vmem>>
          %dma_start3A_354 = arith.constant 0 : i32
          %dma_start3A_355 = arith.constant 0 : i32
          %dma_start3A_356 = tpu.memref_slice %arg3[%dma_start3A_354, %dma_start3A_355] : memref<100000x128xf32, #tpu.memory_space<hbm>> -> memref<100000x128xf32, #tpu.memory_space<hbm>>
          %dma_start3A_357 = tpu.memref_slice %arg7[%dma_start3A_346] : memref<4x!tpu.dma_semaphore, #tpu.memory_space<semaphore_mem>> -> memref<1x!tpu.dma_semaphore, #tpu.memory_space<semaphore_mem>>
          %dma_start3A_358 = tpu.memref_squeeze %dma_start3A_357 : memref<1x!tpu.dma_semaphore, #tpu.memory_space<semaphore_mem>> -> memref<!tpu.dma_semaphore, #tpu.memory_space<semaphore_mem>>
          tpu.enqueue_indirect_dma source(%dma_start3A_356 : memref<100000x128xf32, #tpu.memory_space<hbm>>) target(%dma_start3A_350 : memref<128x128xf32, #tpu.memory_space<vmem>>) offsets(%dma_start3A_353 : memref<128xi32, #tpu.memory_space<vmem>>) semaphore(%dma_start3A_358 : memref<!tpu.dma_semaphore, #tpu.memory_space<semaphore_mem>>)
        } else {
        }
      } else {
      }
      %dma_wait3A_153 = arith.constant 1 : i32
      %dma_wait3A_154 = arith.constant 1 : i32
      %dma_wait3A_155 = arith.constant 0 : i32
      %dma_wait3A_156 = arith.constant 0 : i32
      %dma_wait3A_157 = tpu.memref_slice %arg6[%dma_wait3A_153, %dma_wait3A_155, %dma_wait3A_156] : memref<4x128x128xf32, #tpu.memory_space<vmem>> -> memref<1x128x128xf32, #tpu.memory_space<vmem>>
      %dma_wait3A_158 = tpu.memref_squeeze %dma_wait3A_157 : memref<1x128x128xf32, #tpu.memory_space<vmem>> -> memref<128x128xf32, #tpu.memory_space<vmem>>
      %dma_wait3A_159 = arith.constant 0 : i32
      %dma_wait3A_160 = tpu.memref_slice %arg5[%add3A_147, %dma_wait3A_159] : memref<400x128xi32, #tpu.memory_space<vmem>> -> memref<1x128xi32, #tpu.memory_space<vmem>>
      %dma_wait3A_161 = tpu.memref_squeeze %dma_wait3A_160 : memref<1x128xi32, #tpu.memory_space<vmem>> -> memref<128xi32, #tpu.memory_space<vmem>>
      %dma_wait3A_162 = arith.constant 0 : i32
      %dma_wait3A_163 = arith.constant 0 : i32
      %dma_wait3A_164 = tpu.memref_slice %arg3[%dma_wait3A_162, %dma_wait3A_163] : memref<100000x128xf32, #tpu.memory_space<hbm>> -> memref<100000x128xf32, #tpu.memory_space<hbm>>
      %dma_wait3A_165 = tpu.memref_slice %arg7[%dma_wait3A_154] : memref<4x!tpu.dma_semaphore, #tpu.memory_space<semaphore_mem>> -> memref<1x!tpu.dma_semaphore, #tpu.memory_space<semaphore_mem>>
      %dma_wait3A_166 = tpu.memref_squeeze %dma_wait3A_165 : memref<1x!tpu.dma_semaphore, #tpu.memory_space<semaphore_mem>> -> memref<!tpu.dma_semaphore, #tpu.memory_space<semaphore_mem>>
      tpu.wait_indirect_dma semaphore(%dma_wait3A_166 : memref<!tpu.dma_semaphore, #tpu.memory_space<semaphore_mem>>) src(%dma_wait3A_164 : memref<100000x128xf32, #tpu.memory_space<hbm>>) dst(%dma_wait3A_158 : memref<128x128xf32, #tpu.memory_space<vmem>>)
      %mul3A_167 = arith.constant 128 : i32
      %mul3A_168 = arith.muli %add3A_147, %mul3A_167 : i32
      %add3A_169 = arith.addi %mul3A_2, %mul3A_168 : i32
      %dma_start3A_170 = arith.constant 1 : i32
      %dma_start3A_171 = arith.constant 1 : i32
      %dma_start3A_172 = arith.constant 0 : i32
      %dma_start3A_173 = arith.constant 0 : i32
      %dma_start3A_174 = tpu.memref_slice %arg6[%dma_start3A_170, %dma_start3A_172, %dma_start3A_173] : memref<4x128x128xf32, #tpu.memory_space<vmem>> -> memref<1x128x128xf32, #tpu.memory_space<vmem>>
      %dma_start3A_175 = tpu.memref_squeeze %dma_start3A_174 : memref<1x128x128xf32, #tpu.memory_space<vmem>> -> memref<128x128xf32, #tpu.memory_space<vmem>>
      %dma_start3A_176 = arith.constant 0 : i32
      %dma_start3A_177 = tpu.memref_slice %arg4[%add3A_169, %dma_start3A_176] : memref<1638400x128xf32, #tpu.memory_space<hbm>> -> memref<128x128xf32, #tpu.memory_space<hbm>>
      %dma_start3A_178 = tpu.memref_slice %arg8[%dma_start3A_171] : memref<4x!tpu.dma_semaphore, #tpu.memory_space<semaphore_mem>> -> memref<1x!tpu.dma_semaphore, #tpu.memory_space<semaphore_mem>>
      %dma_start3A_179 = tpu.memref_squeeze %dma_start3A_178 : memref<1x!tpu.dma_semaphore, #tpu.memory_space<semaphore_mem>> -> memref<!tpu.dma_semaphore, #tpu.memory_space<semaphore_mem>>
      %dma_start3A_180 = arith.constant 0 : i32
      %dma_start3A_181 = tpu.memref_slice %arg4[%add3A_169, %dma_start3A_180] : memref<1638400x128xf32, #tpu.memory_space<hbm>> -> memref<128x128xf32, #tpu.memory_space<hbm>>
      %dma_start3A_182 = arith.constant 0 : i32
      %dma_start3A_183 = arith.constant 0 : i32
      %dma_start3A_184 = tpu.memref_slice %arg6[%dma_start3A_170, %dma_start3A_182, %dma_start3A_183] : memref<4x128x128xf32, #tpu.memory_space<vmem>> -> memref<1x128x128xf32, #tpu.memory_space<vmem>>
      %dma_start3A_185 = tpu.memref_squeeze %dma_start3A_184 : memref<1x128x128xf32, #tpu.memory_space<vmem>> -> memref<128x128xf32, #tpu.memory_space<vmem>>
      tpu.enqueue_dma source(%dma_start3A_185 : memref<128x128xf32, #tpu.memory_space<vmem>>) target(%dma_start3A_181 : memref<128x128xf32, #tpu.memory_space<hbm>>) target_semaphore(%dma_start3A_179 : memref<!tpu.dma_semaphore, #tpu.memory_space<semaphore_mem>>)
      %mul3A_186 = arith.constant 4 : i32
      %mul3A_187 = arith.muli %scan3A_103, %mul3A_186 : i32
      %add3A_188 = arith.constant 2 : i32
      %add3A_189 = arith.addi %mul3A_187, %add3A_188 : i32
      %sub3A = arith.constant 2 : i32
      %sub3A_190 = arith.subi %add3A_189, %sub3A : i32
      %mul3A_191 = arith.constant 128 : i32
      %mul3A_192 = arith.muli %sub3A_190, %mul3A_191 : i32
      %add3A_193 = arith.addi %mul3A_2, %mul3A_192 : i32
      %dma_wait3A_194 = arith.constant 0 : i32
      %dma_wait3A_195 = arith.constant 0 : i32
      %dma_wait3A_196 = arith.constant 0 : i32
      %dma_wait3A_197 = arith.constant 0 : i32
      %dma_wait3A_198 = tpu.memref_slice %arg6[%dma_wait3A_194, %dma_wait3A_196, %dma_wait3A_197] : memref<4x128x128xf32, #tpu.memory_space<vmem>> -> memref<1x128x128xf32, #tpu.memory_space<vmem>>
      %dma_wait3A_199 = tpu.memref_squeeze %dma_wait3A_198 : memref<1x128x128xf32, #tpu.memory_space<vmem>> -> memref<128x128xf32, #tpu.memory_space<vmem>>
      %dma_wait3A_200 = arith.constant 0 : i32
      %dma_wait3A_201 = tpu.memref_slice %arg4[%add3A_193, %dma_wait3A_200] : memref<1638400x128xf32, #tpu.memory_space<hbm>> -> memref<128x128xf32, #tpu.memory_space<hbm>>
      %dma_wait3A_202 = tpu.memref_slice %arg8[%dma_wait3A_195] : memref<4x!tpu.dma_semaphore, #tpu.memory_space<semaphore_mem>> -> memref<1x!tpu.dma_semaphore, #tpu.memory_space<semaphore_mem>>
      %dma_wait3A_203 = tpu.memref_squeeze %dma_wait3A_202 : memref<1x!tpu.dma_semaphore, #tpu.memory_space<semaphore_mem>> -> memref<!tpu.dma_semaphore, #tpu.memory_space<semaphore_mem>>
      %dma_wait3A_204 = arith.constant 0 : i32
      %dma_wait3A_205 = tpu.memref_slice %arg4[%add3A_193, %dma_wait3A_204] : memref<1638400x128xf32, #tpu.memory_space<hbm>> -> memref<128x128xf32, #tpu.memory_space<hbm>>
      %dma_wait3A_206 = arith.constant 0 : i32
      %dma_wait3A_207 = arith.constant 0 : i32
      %dma_wait3A_208 = tpu.memref_slice %arg6[%dma_wait3A_194, %dma_wait3A_206, %dma_wait3A_207] : memref<4x128x128xf32, #tpu.memory_space<vmem>> -> memref<1x128x128xf32, #tpu.memory_space<vmem>>
      %dma_wait3A_209 = tpu.memref_squeeze %dma_wait3A_208 : memref<1x128x128xf32, #tpu.memory_space<vmem>> -> memref<128x128xf32, #tpu.memory_space<vmem>>
      tpu.wait_dma2 semaphore(%dma_wait3A_203 : memref<!tpu.dma_semaphore, #tpu.memory_space<semaphore_mem>>) src(%dma_wait3A_209 : memref<128x128xf32, #tpu.memory_space<vmem>>) dst(%dma_wait3A_205 : memref<128x128xf32, #tpu.memory_space<hbm>>)
      %add3A_210 = arith.constant 4 : i32
      %add3A_211 = arith.addi %sub3A_190, %add3A_210 : i32
      %lt3A = arith.constant 400 : i32
      %lt3A_212 = arith.cmpi slt, %add3A_211, %lt3A : i32
      %convert_element_type3A_213 = arith.extui %lt3A_212 : i1 to i32
      %cond3A_214 = arith.constant 0 : i32
      %cond3A_215 = arith.cmpi ne, %convert_element_type3A_213, %cond3A_214 : i32
      scf.if %cond3A_215 {
        %add3A_315 = arith.constant 4 : i32
        %add3A_316 = arith.addi %sub3A_190, %add3A_315 : i32
        %dma_start3A_317 = arith.constant 0 : i32
        %dma_start3A_318 = arith.constant 0 : i32
        %dma_start3A_319 = arith.constant 0 : i32
        %dma_start3A_320 = arith.constant 0 : i32
        %dma_start3A_321 = tpu.memref_slice %arg6[%dma_start3A_317, %dma_start3A_319, %dma_start3A_320] : memref<4x128x128xf32, #tpu.memory_space<vmem>> -> memref<1x128x128xf32, #tpu.memory_space<vmem>>
        %dma_start3A_322 = tpu.memref_squeeze %dma_start3A_321 : memref<1x128x128xf32, #tpu.memory_space<vmem>> -> memref<128x128xf32, #tpu.memory_space<vmem>>
        %dma_start3A_323 = arith.constant 0 : i32
        %dma_start3A_324 = tpu.memref_slice %arg5[%add3A_316, %dma_start3A_323] : memref<400x128xi32, #tpu.memory_space<vmem>> -> memref<1x128xi32, #tpu.memory_space<vmem>>
        %dma_start3A_325 = tpu.memref_squeeze %dma_start3A_324 : memref<1x128xi32, #tpu.memory_space<vmem>> -> memref<128xi32, #tpu.memory_space<vmem>>
        %dma_start3A_326 = arith.constant 0 : i32
        %dma_start3A_327 = arith.constant 0 : i32
        %dma_start3A_328 = tpu.memref_slice %arg3[%dma_start3A_326, %dma_start3A_327] : memref<100000x128xf32, #tpu.memory_space<hbm>> -> memref<100000x128xf32, #tpu.memory_space<hbm>>
        %dma_start3A_329 = tpu.memref_slice %arg7[%dma_start3A_318] : memref<4x!tpu.dma_semaphore, #tpu.memory_space<semaphore_mem>> -> memref<1x!tpu.dma_semaphore, #tpu.memory_space<semaphore_mem>>
        %dma_start3A_330 = tpu.memref_squeeze %dma_start3A_329 : memref<1x!tpu.dma_semaphore, #tpu.memory_space<semaphore_mem>> -> memref<!tpu.dma_semaphore, #tpu.memory_space<semaphore_mem>>
        tpu.enqueue_indirect_dma source(%dma_start3A_328 : memref<100000x128xf32, #tpu.memory_space<hbm>>) target(%dma_start3A_322 : memref<128x128xf32, #tpu.memory_space<vmem>>) offsets(%dma_start3A_325 : memref<128xi32, #tpu.memory_space<vmem>>) semaphore(%dma_start3A_330 : memref<!tpu.dma_semaphore, #tpu.memory_space<semaphore_mem>>)
      } else {
      }
      %dma_wait3A_216 = arith.constant 2 : i32
      %dma_wait3A_217 = arith.constant 2 : i32
      %dma_wait3A_218 = arith.constant 0 : i32
      %dma_wait3A_219 = arith.constant 0 : i32
      %dma_wait3A_220 = tpu.memref_slice %arg6[%dma_wait3A_216, %dma_wait3A_218, %dma_wait3A_219] : memref<4x128x128xf32, #tpu.memory_space<vmem>> -> memref<1x128x128xf32, #tpu.memory_space<vmem>>
      %dma_wait3A_221 = tpu.memref_squeeze %dma_wait3A_220 : memref<1x128x128xf32, #tpu.memory_space<vmem>> -> memref<128x128xf32, #tpu.memory_space<vmem>>
      %dma_wait3A_222 = arith.constant 0 : i32
      %dma_wait3A_223 = tpu.memref_slice %arg5[%add3A_189, %dma_wait3A_222] : memref<400x128xi32, #tpu.memory_space<vmem>> -> memref<1x128xi32, #tpu.memory_space<vmem>>
      %dma_wait3A_224 = tpu.memref_squeeze %dma_wait3A_223 : memref<1x128xi32, #tpu.memory_space<vmem>> -> memref<128xi32, #tpu.memory_space<vmem>>
      %dma_wait3A_225 = arith.constant 0 : i32
      %dma_wait3A_226 = arith.constant 0 : i32
      %dma_wait3A_227 = tpu.memref_slice %arg3[%dma_wait3A_225, %dma_wait3A_226] : memref<100000x128xf32, #tpu.memory_space<hbm>> -> memref<100000x128xf32, #tpu.memory_space<hbm>>
      %dma_wait3A_228 = tpu.memref_slice %arg7[%dma_wait3A_217] : memref<4x!tpu.dma_semaphore, #tpu.memory_space<semaphore_mem>> -> memref<1x!tpu.dma_semaphore, #tpu.memory_space<semaphore_mem>>
      %dma_wait3A_229 = tpu.memref_squeeze %dma_wait3A_228 : memref<1x!tpu.dma_semaphore, #tpu.memory_space<semaphore_mem>> -> memref<!tpu.dma_semaphore, #tpu.memory_space<semaphore_mem>>
      tpu.wait_indirect_dma semaphore(%dma_wait3A_229 : memref<!tpu.dma_semaphore, #tpu.memory_space<semaphore_mem>>) src(%dma_wait3A_227 : memref<100000x128xf32, #tpu.memory_space<hbm>>) dst(%dma_wait3A_221 : memref<128x128xf32, #tpu.memory_space<vmem>>)
      %mul3A_230 = arith.constant 128 : i32
      %mul3A_231 = arith.muli %add3A_189, %mul3A_230 : i32
      %add3A_232 = arith.addi %mul3A_2, %mul3A_231 : i32
      %dma_start3A_233 = arith.constant 2 : i32
      %dma_start3A_234 = arith.constant 2 : i32
      %dma_start3A_235 = arith.constant 0 : i32
      %dma_start3A_236 = arith.constant 0 : i32
      %dma_start3A_237 = tpu.memref_slice %arg6[%dma_start3A_233, %dma_start3A_235, %dma_start3A_236] : memref<4x128x128xf32, #tpu.memory_space<vmem>> -> memref<1x128x128xf32, #tpu.memory_space<vmem>>
      %dma_start3A_238 = tpu.memref_squeeze %dma_start3A_237 : memref<1x128x128xf32, #tpu.memory_space<vmem>> -> memref<128x128xf32, #tpu.memory_space<vmem>>
      %dma_start3A_239 = arith.constant 0 : i32
      %dma_start3A_240 = tpu.memref_slice %arg4[%add3A_232, %dma_start3A_239] : memref<1638400x128xf32, #tpu.memory_space<hbm>> -> memref<128x128xf32, #tpu.memory_space<hbm>>
      %dma_start3A_241 = tpu.memref_slice %arg8[%dma_start3A_234] : memref<4x!tpu.dma_semaphore, #tpu.memory_space<semaphore_mem>> -> memref<1x!tpu.dma_semaphore, #tpu.memory_space<semaphore_mem>>
      %dma_start3A_242 = tpu.memref_squeeze %dma_start3A_241 : memref<1x!tpu.dma_semaphore, #tpu.memory_space<semaphore_mem>> -> memref<!tpu.dma_semaphore, #tpu.memory_space<semaphore_mem>>
      %dma_start3A_243 = arith.constant 0 : i32
      %dma_start3A_244 = tpu.memref_slice %arg4[%add3A_232, %dma_start3A_243] : memref<1638400x128xf32, #tpu.memory_space<hbm>> -> memref<128x128xf32, #tpu.memory_space<hbm>>
      %dma_start3A_245 = arith.constant 0 : i32
      %dma_start3A_246 = arith.constant 0 : i32
      %dma_start3A_247 = tpu.memref_slice %arg6[%dma_start3A_233, %dma_start3A_245, %dma_start3A_246] : memref<4x128x128xf32, #tpu.memory_space<vmem>> -> memref<1x128x128xf32, #tpu.memory_space<vmem>>
      %dma_start3A_248 = tpu.memref_squeeze %dma_start3A_247 : memref<1x128x128xf32, #tpu.memory_space<vmem>> -> memref<128x128xf32, #tpu.memory_space<vmem>>
      tpu.enqueue_dma source(%dma_start3A_248 : memref<128x128xf32, #tpu.memory_space<vmem>>) target(%dma_start3A_244 : memref<128x128xf32, #tpu.memory_space<hbm>>) target_semaphore(%dma_start3A_242 : memref<!tpu.dma_semaphore, #tpu.memory_space<semaphore_mem>>)
      %mul3A_249 = arith.constant 4 : i32
      %mul3A_250 = arith.muli %scan3A_103, %mul3A_249 : i32
      %add3A_251 = arith.constant 3 : i32
      %add3A_252 = arith.addi %mul3A_250, %add3A_251 : i32
      %sub3A_253 = arith.constant 2 : i32
      %sub3A_254 = arith.subi %add3A_252, %sub3A_253 : i32
      %mul3A_255 = arith.constant 128 : i32
      %mul3A_256 = arith.muli %sub3A_254, %mul3A_255 : i32
      %add3A_257 = arith.addi %mul3A_2, %mul3A_256 : i32
      %dma_wait3A_258 = arith.constant 1 : i32
      %dma_wait3A_259 = arith.constant 1 : i32
      %dma_wait3A_260 = arith.constant 0 : i32
      %dma_wait3A_261 = arith.constant 0 : i32
      %dma_wait3A_262 = tpu.memref_slice %arg6[%dma_wait3A_258, %dma_wait3A_260, %dma_wait3A_261] : memref<4x128x128xf32, #tpu.memory_space<vmem>> -> memref<1x128x128xf32, #tpu.memory_space<vmem>>
      %dma_wait3A_263 = tpu.memref_squeeze %dma_wait3A_262 : memref<1x128x128xf32, #tpu.memory_space<vmem>> -> memref<128x128xf32, #tpu.memory_space<vmem>>
      %dma_wait3A_264 = arith.constant 0 : i32
      %dma_wait3A_265 = tpu.memref_slice %arg4[%add3A_257, %dma_wait3A_264] : memref<1638400x128xf32, #tpu.memory_space<hbm>> -> memref<128x128xf32, #tpu.memory_space<hbm>>
      %dma_wait3A_266 = tpu.memref_slice %arg8[%dma_wait3A_259] : memref<4x!tpu.dma_semaphore, #tpu.memory_space<semaphore_mem>> -> memref<1x!tpu.dma_semaphore, #tpu.memory_space<semaphore_mem>>
      %dma_wait3A_267 = tpu.memref_squeeze %dma_wait3A_266 : memref<1x!tpu.dma_semaphore, #tpu.memory_space<semaphore_mem>> -> memref<!tpu.dma_semaphore, #tpu.memory_space<semaphore_mem>>
      %dma_wait3A_268 = arith.constant 0 : i32
      %dma_wait3A_269 = tpu.memref_slice %arg4[%add3A_257, %dma_wait3A_268] : memref<1638400x128xf32, #tpu.memory_space<hbm>> -> memref<128x128xf32, #tpu.memory_space<hbm>>
      %dma_wait3A_270 = arith.constant 0 : i32
      %dma_wait3A_271 = arith.constant 0 : i32
      %dma_wait3A_272 = tpu.memref_slice %arg6[%dma_wait3A_258, %dma_wait3A_270, %dma_wait3A_271] : memref<4x128x128xf32, #tpu.memory_space<vmem>> -> memref<1x128x128xf32, #tpu.memory_space<vmem>>
      %dma_wait3A_273 = tpu.memref_squeeze %dma_wait3A_272 : memref<1x128x128xf32, #tpu.memory_space<vmem>> -> memref<128x128xf32, #tpu.memory_space<vmem>>
      tpu.wait_dma2 semaphore(%dma_wait3A_267 : memref<!tpu.dma_semaphore, #tpu.memory_space<semaphore_mem>>) src(%dma_wait3A_273 : memref<128x128xf32, #tpu.memory_space<vmem>>) dst(%dma_wait3A_269 : memref<128x128xf32, #tpu.memory_space<hbm>>)
      %add3A_274 = arith.constant 4 : i32
      %add3A_275 = arith.addi %sub3A_254, %add3A_274 : i32
      %lt3A_276 = arith.constant 400 : i32
      %lt3A_277 = arith.cmpi slt, %add3A_275, %lt3A_276 : i32
      %convert_element_type3A_278 = arith.extui %lt3A_277 : i1 to i32
      %cond3A_279 = arith.constant 0 : i32
      %cond3A_280 = arith.cmpi ne, %convert_element_type3A_278, %cond3A_279 : i32
      scf.if %cond3A_280 {
        %add3A_315 = arith.constant 4 : i32
        %add3A_316 = arith.addi %sub3A_254, %add3A_315 : i32
        %dma_start3A_317 = arith.constant 1 : i32
        %dma_start3A_318 = arith.constant 1 : i32
        %dma_start3A_319 = arith.constant 0 : i32
        %dma_start3A_320 = arith.constant 0 : i32
        %dma_start3A_321 = tpu.memref_slice %arg6[%dma_start3A_317, %dma_start3A_319, %dma_start3A_320] : memref<4x128x128xf32, #tpu.memory_space<vmem>> -> memref<1x128x128xf32, #tpu.memory_space<vmem>>
        %dma_start3A_322 = tpu.memref_squeeze %dma_start3A_321 : memref<1x128x128xf32, #tpu.memory_space<vmem>> -> memref<128x128xf32, #tpu.memory_space<vmem>>
        %dma_start3A_323 = arith.constant 0 : i32
        %dma_start3A_324 = tpu.memref_slice %arg5[%add3A_316, %dma_start3A_323] : memref<400x128xi32, #tpu.memory_space<vmem>> -> memref<1x128xi32, #tpu.memory_space<vmem>>
        %dma_start3A_325 = tpu.memref_squeeze %dma_start3A_324 : memref<1x128xi32, #tpu.memory_space<vmem>> -> memref<128xi32, #tpu.memory_space<vmem>>
        %dma_start3A_326 = arith.constant 0 : i32
        %dma_start3A_327 = arith.constant 0 : i32
        %dma_start3A_328 = tpu.memref_slice %arg3[%dma_start3A_326, %dma_start3A_327] : memref<100000x128xf32, #tpu.memory_space<hbm>> -> memref<100000x128xf32, #tpu.memory_space<hbm>>
        %dma_start3A_329 = tpu.memref_slice %arg7[%dma_start3A_318] : memref<4x!tpu.dma_semaphore, #tpu.memory_space<semaphore_mem>> -> memref<1x!tpu.dma_semaphore, #tpu.memory_space<semaphore_mem>>
        %dma_start3A_330 = tpu.memref_squeeze %dma_start3A_329 : memref<1x!tpu.dma_semaphore, #tpu.memory_space<semaphore_mem>> -> memref<!tpu.dma_semaphore, #tpu.memory_space<semaphore_mem>>
        tpu.enqueue_indirect_dma source(%dma_start3A_328 : memref<100000x128xf32, #tpu.memory_space<hbm>>) target(%dma_start3A_322 : memref<128x128xf32, #tpu.memory_space<vmem>>) offsets(%dma_start3A_325 : memref<128xi32, #tpu.memory_space<vmem>>) semaphore(%dma_start3A_330 : memref<!tpu.dma_semaphore, #tpu.memory_space<semaphore_mem>>)
      } else {
      }
      %dma_wait3A_281 = arith.constant 3 : i32
      %dma_wait3A_282 = arith.constant 3 : i32
      %dma_wait3A_283 = arith.constant 0 : i32
      %dma_wait3A_284 = arith.constant 0 : i32
      %dma_wait3A_285 = tpu.memref_slice %arg6[%dma_wait3A_281, %dma_wait3A_283, %dma_wait3A_284] : memref<4x128x128xf32, #tpu.memory_space<vmem>> -> memref<1x128x128xf32, #tpu.memory_space<vmem>>
      %dma_wait3A_286 = tpu.memref_squeeze %dma_wait3A_285 : memref<1x128x128xf32, #tpu.memory_space<vmem>> -> memref<128x128xf32, #tpu.memory_space<vmem>>
      %dma_wait3A_287 = arith.constant 0 : i32
      %dma_wait3A_288 = tpu.memref_slice %arg5[%add3A_252, %dma_wait3A_287] : memref<400x128xi32, #tpu.memory_space<vmem>> -> memref<1x128xi32, #tpu.memory_space<vmem>>
      %dma_wait3A_289 = tpu.memref_squeeze %dma_wait3A_288 : memref<1x128xi32, #tpu.memory_space<vmem>> -> memref<128xi32, #tpu.memory_space<vmem>>
      %dma_wait3A_290 = arith.constant 0 : i32
      %dma_wait3A_291 = arith.constant 0 : i32
      %dma_wait3A_292 = tpu.memref_slice %arg3[%dma_wait3A_290, %dma_wait3A_291] : memref<100000x128xf32, #tpu.memory_space<hbm>> -> memref<100000x128xf32, #tpu.memory_space<hbm>>
      %dma_wait3A_293 = tpu.memref_slice %arg7[%dma_wait3A_282] : memref<4x!tpu.dma_semaphore, #tpu.memory_space<semaphore_mem>> -> memref<1x!tpu.dma_semaphore, #tpu.memory_space<semaphore_mem>>
      %dma_wait3A_294 = tpu.memref_squeeze %dma_wait3A_293 : memref<1x!tpu.dma_semaphore, #tpu.memory_space<semaphore_mem>> -> memref<!tpu.dma_semaphore, #tpu.memory_space<semaphore_mem>>
      tpu.wait_indirect_dma semaphore(%dma_wait3A_294 : memref<!tpu.dma_semaphore, #tpu.memory_space<semaphore_mem>>) src(%dma_wait3A_292 : memref<100000x128xf32, #tpu.memory_space<hbm>>) dst(%dma_wait3A_286 : memref<128x128xf32, #tpu.memory_space<vmem>>)
      %mul3A_295 = arith.constant 128 : i32
      %mul3A_296 = arith.muli %add3A_252, %mul3A_295 : i32
      %add3A_297 = arith.addi %mul3A_2, %mul3A_296 : i32
      %dma_start3A_298 = arith.constant 3 : i32
      %dma_start3A_299 = arith.constant 3 : i32
      %dma_start3A_300 = arith.constant 0 : i32
      %dma_start3A_301 = arith.constant 0 : i32
      %dma_start3A_302 = tpu.memref_slice %arg6[%dma_start3A_298, %dma_start3A_300, %dma_start3A_301] : memref<4x128x128xf32, #tpu.memory_space<vmem>> -> memref<1x128x128xf32, #tpu.memory_space<vmem>>
      %dma_start3A_303 = tpu.memref_squeeze %dma_start3A_302 : memref<1x128x128xf32, #tpu.memory_space<vmem>> -> memref<128x128xf32, #tpu.memory_space<vmem>>
      %dma_start3A_304 = arith.constant 0 : i32
      %dma_start3A_305 = tpu.memref_slice %arg4[%add3A_297, %dma_start3A_304] : memref<1638400x128xf32, #tpu.memory_space<hbm>> -> memref<128x128xf32, #tpu.memory_space<hbm>>
      %dma_start3A_306 = tpu.memref_slice %arg8[%dma_start3A_299] : memref<4x!tpu.dma_semaphore, #tpu.memory_space<semaphore_mem>> -> memref<1x!tpu.dma_semaphore, #tpu.memory_space<semaphore_mem>>
      %dma_start3A_307 = tpu.memref_squeeze %dma_start3A_306 : memref<1x!tpu.dma_semaphore, #tpu.memory_space<semaphore_mem>> -> memref<!tpu.dma_semaphore, #tpu.memory_space<semaphore_mem>>
      %dma_start3A_308 = arith.constant 0 : i32
      %dma_start3A_309 = tpu.memref_slice %arg4[%add3A_297, %dma_start3A_308] : memref<1638400x128xf32, #tpu.memory_space<hbm>> -> memref<128x128xf32, #tpu.memory_space<hbm>>
      %dma_start3A_310 = arith.constant 0 : i32
      %dma_start3A_311 = arith.constant 0 : i32
      %dma_start3A_312 = tpu.memref_slice %arg6[%dma_start3A_298, %dma_start3A_310, %dma_start3A_311] : memref<4x128x128xf32, #tpu.memory_space<vmem>> -> memref<1x128x128xf32, #tpu.memory_space<vmem>>
      %dma_start3A_313 = tpu.memref_squeeze %dma_start3A_312 : memref<1x128x128xf32, #tpu.memory_space<vmem>> -> memref<128x128xf32, #tpu.memory_space<vmem>>
      tpu.enqueue_dma source(%dma_start3A_313 : memref<128x128xf32, #tpu.memory_space<vmem>>) target(%dma_start3A_309 : memref<128x128xf32, #tpu.memory_space<hbm>>) target_semaphore(%dma_start3A_307 : memref<!tpu.dma_semaphore, #tpu.memory_space<semaphore_mem>>)
      %scan3A_314 = arith.constant 0 : i32
      scf.yield %scan3A_314 : i32
    }
    %scan3A_67 = arith.constant 100 : i32
    %add3A_68 = arith.constant 50944 : i32
    %add3A_69 = arith.addi %mul3A_2, %add3A_68 : i32
    %dma_wait3A = arith.constant 2 : i32
    %dma_wait3A_70 = arith.constant 2 : i32
    %dma_wait3A_71 = arith.constant 0 : i32
    %dma_wait3A_72 = arith.constant 0 : i32
    %dma_wait3A_73 = tpu.memref_slice %arg6[%dma_wait3A, %dma_wait3A_71, %dma_wait3A_72] : memref<4x128x128xf32, #tpu.memory_space<vmem>> -> memref<1x128x128xf32, #tpu.memory_space<vmem>>
    %dma_wait3A_74 = tpu.memref_squeeze %dma_wait3A_73 : memref<1x128x128xf32, #tpu.memory_space<vmem>> -> memref<128x128xf32, #tpu.memory_space<vmem>>
    %dma_wait3A_75 = arith.constant 0 : i32
    %dma_wait3A_76 = tpu.memref_slice %arg4[%add3A_69, %dma_wait3A_75] : memref<1638400x128xf32, #tpu.memory_space<hbm>> -> memref<128x128xf32, #tpu.memory_space<hbm>>
    %dma_wait3A_77 = tpu.memref_slice %arg8[%dma_wait3A_70] : memref<4x!tpu.dma_semaphore, #tpu.memory_space<semaphore_mem>> -> memref<1x!tpu.dma_semaphore, #tpu.memory_space<semaphore_mem>>
    %dma_wait3A_78 = tpu.memref_squeeze %dma_wait3A_77 : memref<1x!tpu.dma_semaphore, #tpu.memory_space<semaphore_mem>> -> memref<!tpu.dma_semaphore, #tpu.memory_space<semaphore_mem>>
    %dma_wait3A_79 = arith.constant 0 : i32
    %dma_wait3A_80 = tpu.memref_slice %arg4[%add3A_69, %dma_wait3A_79] : memref<1638400x128xf32, #tpu.memory_space<hbm>> -> memref<128x128xf32, #tpu.memory_space<hbm>>
    %dma_wait3A_81 = arith.constant 0 : i32
    %dma_wait3A_82 = arith.constant 0 : i32
    %dma_wait3A_83 = tpu.memref_slice %arg6[%dma_wait3A, %dma_wait3A_81, %dma_wait3A_82] : memref<4x128x128xf32, #tpu.memory_space<vmem>> -> memref<1x128x128xf32, #tpu.memory_space<vmem>>
    %dma_wait3A_84 = tpu.memref_squeeze %dma_wait3A_83 : memref<1x128x128xf32, #tpu.memory_space<vmem>> -> memref<128x128xf32, #tpu.memory_space<vmem>>
    tpu.wait_dma2 semaphore(%dma_wait3A_78 : memref<!tpu.dma_semaphore, #tpu.memory_space<semaphore_mem>>) src(%dma_wait3A_84 : memref<128x128xf32, #tpu.memory_space<vmem>>) dst(%dma_wait3A_80 : memref<128x128xf32, #tpu.memory_space<hbm>>)
    %add3A_85 = arith.constant 51072 : i32
    %add3A_86 = arith.addi %mul3A_2, %add3A_85 : i32
    %dma_wait3A_87 = arith.constant 3 : i32
    %dma_wait3A_88 = arith.constant 3 : i32
    %dma_wait3A_89 = arith.constant 0 : i32
    %dma_wait3A_90 = arith.constant 0 : i32
    %dma_wait3A_91 = tpu.memref_slice %arg6[%dma_wait3A_87, %dma_wait3A_89, %dma_wait3A_90] : memref<4x128x128xf32, #tpu.memory_space<vmem>> -> memref<1x128x128xf32, #tpu.memory_space<vmem>>
    %dma_wait3A_92 = tpu.memref_squeeze %dma_wait3A_91 : memref<1x128x128xf32, #tpu.memory_space<vmem>> -> memref<128x128xf32, #tpu.memory_space<vmem>>
    %dma_wait3A_93 = arith.constant 0 : i32
    %dma_wait3A_94 = tpu.memref_slice %arg4[%add3A_86, %dma_wait3A_93] : memref<1638400x128xf32, #tpu.memory_space<hbm>> -> memref<128x128xf32, #tpu.memory_space<hbm>>
    %dma_wait3A_95 = tpu.memref_slice %arg8[%dma_wait3A_88] : memref<4x!tpu.dma_semaphore, #tpu.memory_space<semaphore_mem>> -> memref<1x!tpu.dma_semaphore, #tpu.memory_space<semaphore_mem>>
    %dma_wait3A_96 = tpu.memref_squeeze %dma_wait3A_95 : memref<1x!tpu.dma_semaphore, #tpu.memory_space<semaphore_mem>> -> memref<!tpu.dma_semaphore, #tpu.memory_space<semaphore_mem>>
    %dma_wait3A_97 = arith.constant 0 : i32
    %dma_wait3A_98 = tpu.memref_slice %arg4[%add3A_86, %dma_wait3A_97] : memref<1638400x128xf32, #tpu.memory_space<hbm>> -> memref<128x128xf32, #tpu.memory_space<hbm>>
    %dma_wait3A_99 = arith.constant 0 : i32
    %dma_wait3A_100 = arith.constant 0 : i32
    %dma_wait3A_101 = tpu.memref_slice %arg6[%dma_wait3A_87, %dma_wait3A_99, %dma_wait3A_100] : memref<4x128x128xf32, #tpu.memory_space<vmem>> -> memref<1x128x128xf32, #tpu.memory_space<vmem>>
    %dma_wait3A_102 = tpu.memref_squeeze %dma_wait3A_101 : memref<1x128x128xf32, #tpu.memory_space<vmem>> -> memref<128x128xf32, #tpu.memory_space<vmem>>
    tpu.wait_dma2 semaphore(%dma_wait3A_96 : memref<!tpu.dma_semaphore, #tpu.memory_space<semaphore_mem>>) src(%dma_wait3A_102 : memref<128x128xf32, #tpu.memory_space<vmem>>) dst(%dma_wait3A_98 : memref<128x128xf32, #tpu.memory_space<hbm>>)
    return
  }
}

</mosaic_0001>

<sc_bundles>
// kernel: kernel.3.cloned.1.call-start
scs
__scs_entry_jumppad:
0x0: {  	(pc) =	sbr.rel $0x88, $3  }
0x1: {  	(tag) =	ssettag $0x0;
	lr =	simm.s32 $0x1  }
0x2: {  	[smem:$0x3F9F] =	sst lr;
	_ =	strace $0xD0000000  }
0x3: {  	_ = 	snop  }
0x4: {  	_ = 	snop  }
0x5: {  	_ = 	snop  }
0x6: {  	_ = 	snop  }
0x7: {  	_ = 	snop  }
__scs_overlays_trampoline_lowered:
0x8: {  	[smem:$0x3FAE] =	sst s0  }
0x9: {  	[smem:$0x3FAF] =	sst s1  }
0xa: {  	[smem:$0x3FB0] =	sst s2  }
0xb: {  	[smem:$0x3FB1] =	sst s3  }
0xc: {  	[smem:$0x3FB2] =	sst s4  }
0xd: {  	[smem:$0x3FB3] =	sst s5  }
0xe: {  	[smem:$0x3FB4] =	sst s6  }
0xf: {  	[smem:$0x3FB5] =	sst s7  }
0x10: {  	[smem:$0x3FB6] =	sst s8  }
0x11: {  	[smem:$0x3FB7] =	sst s9;
	s0 =	simm.s32 @!p0 $0x0  }
0x12: {  	s1 =	sld [smem:$0x3F9D];
	s0 =	simm.s32 @p0 $0x1  }
0x13: {  	[smem:$0x3FB8] =	sst s0;
	s0 =	simm.s32 @!p1 $0x0  }
0x14: {  	s2 =	sld [smem:$0x3F9C];
	s0 =	simm.s32 @p1 $0x1  }
0x15: {  	[smem:$0x3FB9] =	sst s0;
	s0 =	simm.s32 @!p2 $0x0  }
0x16: {  	s3 =	sld [smem:$0x3FDB];
	s0 =	simm.s32 @p2 $0x1  }
0x17: {  	s4 =	simm.s32 $0x1BF5;
	[smem:$0x3FBB] =	sst s0  }
0x18: {  	s0 =	sld [smem:$0x3F9E];
	_ =	swait.ge [sflag:s4], $0x0  }
0x19: {  	s7 =	sld [smem:$0x3F9F]  }
0x1a: {  	s8 =	sadd.s32 $0xFFFFE003, lr  }
0x1b: {  	s9 =	sadd.s32 $0xFFFFFEF7, lr;
	s5 =	simm.s32 $0xFFFFFFFF;
	p2 =	slt.u32 s8, $0xFFFFF086  }
0x1c: {  	p1 =	slt.u32 s9, $0xF7A;
	s5 =	simm.s32 @!p2 $0x0  }
0x1d: {  	s5 =	simm.s32 @p1 $0x1;
	p0 =	seq.s32 s7, s2  }
0x1e: {  	s7 =	smul.u32 @!p0 $0xF7A, s2;
	p2 =	seq.s32 @!p0 s5, $0x0  }
0x1f: {  	s9 =	smul.u32 $0xF7A, s1;
	s8 =	simm.s32 @!p0 $0x1BF5;
	p2 =	por !p2, p0  }
0x20: {  	[sflag:s8] =	ssyncset.s32 @!p0 $0xFFFFF086;
	s6 =	sadd.s32 @!p0 s3, s7;
	s7 =	simm.s32 @!p0 $0x108  }
0x21: {  	s3 =	sadd.s32 s3, s9;
	s6 =	sadd.s32 @!p0 $0x88, s6;
	s7 =	simm.s32 @p2 $0x1082  }
0x22: {  	[simem:s7], [sflag:s8] =	dma.local @!p0 [hbm:s6], $0xF7A  }
0x23: {  	s9 =	sor.u32 $0xD0000000, s2;
	s6 =	simm.s32 $0x108;
	_ =	swait.ge @!p0 [sflag:s8], $0x0  }
0x24: {  	s3 =	sadd.s32 $0x88, s3;
	s6 =	simm.s32 @!p1 $0x1082;
	[sflag:s4] =	ssyncset.s32 $0xFFFFF086  }
0x25: {  	[simem:s6], [sflag:s4] =	dma.local [hbm:s3], $0xF7A  }
0x26: {  	[smem:$0x3F9F] =	sst s1;
	(tag) =	ssettag s2;
	_ =	strace s9  }
0x27: {  	s1 =	sld [smem:$0x3FAF]  }
0x28: {  	s2 =	sld [smem:$0x3FB0]  }
0x29: {  	s4 =	sld [smem:$0x3FB2]  }
0x2a: {  	p0 =	seq.s32 s5, $0x0;
	s5 =	sld [smem:$0x3FB3]  }
0x2b: {  	s6 =	sld [smem:$0x3FB4]  }
0x2c: {  	s7 =	sld [smem:$0x3FB5]  }
0x2d: {  	s3 =	simm.s32 $0x108;
	s8 =	sld [smem:$0x3FB6]  }
0x2e: {  	s3 =	simm.s32 @!p0 $0x1082;
	s9 =	sld [smem:$0x3FB7]  }
0x2f: {  	lr =	sadd.s32 s0, s3;
	s0 =	sld [smem:$0x3FAE]  }
0x30: {  	s3 =	sld [smem:$0x3FB1]  }
0x31: {  	[smem:$0x3FBA] =	sst s10  }
0x32: {  	s10 =	sld [smem:$0x3FB8];
	_ =	sdelay $0x3  }
0x33: {  	p0 =	seq.s32 s10, $0x1;
	s10 =	sld [smem:$0x3FBA];
	_ =	sdelay $0x3  }
0x34: {  	[smem:$0x3FBA] =	sst s10  }
0x35: {  	s10 =	sld [smem:$0x3FB9];
	_ =	sdelay $0x3  }
0x36: {  	p1 =	seq.s32 s10, $0x1;
	s10 =	sld [smem:$0x3FBA];
	_ =	sdelay $0x3  }
0x37: {  	[smem:$0x3FBA] =	sst s10  }
0x38: {  	s10 =	sld [smem:$0x3FBB]  }
0x39: {  	_ = 	snop;
	(pc) =	sbr.ind lr, $3  }
0x3a: {  	_ = 	snop  }
0x3b: {  	_ = 	snop  }
0x3c: {  	p2 =	seq.s32 s10, $0x1;
	s10 =	sld [smem:$0x3FBA]  }
0x3d: {  	_ =	shalt  }
0x3e: {  	_ =	shalt  }
0x3f: {  	_ =	shalt  }
0x40: {  	_ =	shalt  }
0x41: {  	_ =	shalt  }
0x42: {  	_ =	shalt  }
0x43: {  	_ =	shalt  }
0x44: {  	_ =	shalt  }
0x45: {  	_ =	shalt  }
0x46: {  	_ =	shalt  }
0x47: {  	_ =	shalt  }
0x48: {  	_ =	shalt  }
0x49: {  	_ =	shalt  }
0x4a: {  	_ =	shalt  }
0x4b: {  	_ =	shalt  }
0x4c: {  	_ =	shalt  }
0x4d: {  	_ =	shalt  }
0x4e: {  	_ =	shalt  }
0x4f: {  	_ =	shalt  }
0x50: {  	_ =	shalt  }
0x51: {  	_ =	shalt  }
0x52: {  	_ =	shalt  }
0x53: {  	_ =	shalt  }
0x54: {  	_ =	shalt  }
0x55: {  	_ =	shalt  }
0x56: {  	_ =	shalt  }
0x57: {  	_ =	shalt  }
0x58: {  	_ =	shalt  }
0x59: {  	_ =	shalt  }
0x5a: {  	_ =	shalt  }
0x5b: {  	_ =	shalt  }
0x5c: {  	_ =	shalt  }
0x5d: {  	_ =	shalt  }
0x5e: {  	_ =	shalt  }
0x5f: {  	_ =	shalt  }
0x60: {  	_ =	shalt  }
0x61: {  	_ =	shalt  }
0x62: {  	_ =	shalt  }
0x63: {  	_ =	shalt  }
0x64: {  	_ =	shalt  }
0x65: {  	_ =	shalt  }
0x66: {  	_ =	shalt  }
0x67: {  	_ =	shalt  }
0x68: {  	_ =	shalt  }
0x69: {  	_ =	shalt  }
0x6a: {  	_ =	shalt  }
0x6b: {  	_ =	shalt  }
0x6c: {  	_ =	shalt  }
0x6d: {  	_ =	shalt  }
0x6e: {  	_ =	shalt  }
0x6f: {  	_ =	shalt  }
0x70: {  	_ =	shalt  }
0x71: {  	_ =	shalt  }
0x72: {  	_ =	shalt  }
0x73: {  	_ =	shalt  }
0x74: {  	_ =	shalt  }
0x75: {  	_ =	shalt  }
0x76: {  	_ =	shalt  }
0x77: {  	_ =	shalt  }
0x78: {  	_ =	shalt  }
0x79: {  	_ =	shalt  }
0x7a: {  	_ =	shalt  }
0x7b: {  	_ =	shalt  }
0x7c: {  	_ =	shalt  }
0x7d: {  	_ =	shalt  }
0x7e: {  	_ =	shalt  }
0x7f: {  	_ =	shalt  }
0x80: {  	_ =	shalt  }
0x81: {  	_ =	shalt  }
0x82: {  	_ =	shalt  }
0x83: {  	_ =	shalt  }
0x84: {  	_ =	shalt  }
0x85: {  	_ =	shalt  }
0x86: {  	_ =	shalt  }
0x87: {  	_ =	shalt  }
.Lfunc_end0:
.L_simem_size_0:
called_computation_lowered:
.L_overlay_start_0:
0x88: {  	s2 =	sld [smem:$0x3FD9]  }
0x89: {  	s3 =	sld [smem:$0x3FFE];
	_ =	sdelay $0x1  }
0x8a: {  	s1 =	srdreg.scid  }
0x8b: {  	s0 =	sand.u32 $0x1, s1  }
0x8c: {  	s17 =	sshll.u32 s0, $0xA;
	s2 =	sadd.s32 s3, s2  }
0x8d: {  	s2 =	sadd.s32 s2, s17  }
0x8e: {  	[smem:$0x3FC6] =	sst s2  }
0x8f: {  	_ = 	snop  }
0x90: {  	s2 =	sld [smem:$0x3FC8]  }
0x91: {  	s18 =	sld [smem:$0x3FD0];
	(tm) =	ssettm $0x1  }
0x92: {  	s4 =	sld [smem:$0x3FFB];
	_ =	sdelay $0x3  }
0x93: {  	_ =	strace s4  }
0x94: {  	s4 =	sld [smem:$0x3FFC];
	_ =	sdelay $0x3  }
0x95: {  	_ =	strace s4  }
0x96: {  	s4 =	sld [smem:$0x3FFD];
	_ =	sdelay $0x3  }
0x97: {  	_ =	strace s4  }
0x98: {  	_ =	strace $0x8FFFFFFF  }
0x99: {  	s19 =	sld [smem:$0x3FDB];
	_ =	sdelay $0x1  }
0x9a: {  	s5 =	simm.s32 $_scs_section_size  }
0x9b: {  	s6 =	simm.s32 $_size__tile_overlayer_lowered;
	s7 =	simm.s32 $_tile_overlayer_lowered  }
0x9c: {  	s22 =	simm.s32 $0x1BFF;
	s21 =	sshll.u32 s7, $0x1;
	s4 =	sadd.s32 s5, s19  }
0x9d: {  	s8 =	simm.s32 $0x0;
	s20 =	sshll.u32 s6, $0x1;
	s6 =	sadd.s32 s21, s4  }
0x9e: {  	[timem:s8], [sflag:s22] =	dma.local [hbm:s6], s20  }
0x9f: {  	_ =	swait.ge [sflag:s22], s20  }
0xa0: {  	s5 =	ssub.s32 $0x0, s20;
	[sflag:s22] =	ssyncset.done $0x0  }
0xa1: {  	[sflag:s22] =	ssyncadd.s32 s5;
	_ =	sdelay $0x1  }
0xa2: {  	s23 =	simm.s32 $0x1B8B  }
0xa3: {  	_ =	swait.ge [sflag:s23], $0x1  }
0xa4: {  	[sflag:s23] =	ssyncset.done $0x0  }
0xa5: {  	s25 =	simm.s32 $0x1B8E;
	s24 =	sld [smem:$0x3FFE];
	[sflag:s23] =	ssyncadd.s32 $0xFFFFFFFF  }
0xa6: {  	s26 =	simm.s32 $execute0_lowered;
	[smem:$0x3FD2] =	sst s25  }
0xa7: {  	s6 =	sshll.u32 s26, $0x1;
	_ =	strace $0x80000046;
	[dreg:$0x1] =	wrdreg $0xFFFFFFFF  }
0xa8: {  	s28 =	simm.s32 $_size_execute0_lowered;
	s4 =	sadd.s32 s4, s6;
	[dreg:$0x0] =	wrdreg $0x0  }
0xa9: {  	s6 =	sshll.u32 s28, $0x1;
	[dreg:$0x2] =	wrdreg s4  }
0xaa: {  	[dreg:$0x3] =	wrdreg s6  }
0xab: {  	[dreg:$0x4] =	wrdreg $0xC0  }
0xac: {  	_ =	task [dreg:s8], $0x5FFFF  }
0xad: {  	[dreg:$0x1] =	wrdreg $0xFFFFFFFF  }
0xae: {  	[dreg:$0x0] =	wrdreg $0x60  }
0xaf: {  	[dreg:$0x2] =	wrdreg s24  }
0xb0: {  	[dreg:$0x3] =	wrdreg s2  }
0xb1: {  	[dreg:$0x4] =	wrdreg s18  }
0xb2: {  	[dreg:$0x5] =	wrdreg $0x9  }
0xb3: {  	_ =	task.clear_ibuf [dreg:s8], $0x6FFFF;
	_ =	strace $0x90000046  }
0xb4: {  	s29 =	simm.s32 $0x9;
	_ =	strace $0x80000048  }
0xb5: {  	_ =	swait.ge [sflag:s29], $0x1  }
0xb6: {  	[sflag:s29] =	ssyncadd.s32 $0xFFFFFFFF  }
0xb7: {  	_ =	strace $0x90000048  }
0xb8: {  	_ =	sfence  }
0xb9: {  	s30 =	sld [smem:$0x0];
	_ =	sdelay $0x2  }
0xba: {  	s31 =	sshll.u32 s1, $0xD;
	s1 =	sshrl.u32 s1, $0x2  }
0xbb: {  	s3 =	sand.u32 $0x4000, s31;
	s1 =	sadd.s32 s1, s30  }
0xbc: {  	s0 =	sor.u32 s3, s0;
	s1 =	sshll.u32 s1, $0x11  }
0xbd: {  	s0 =	sor.u32 s1, s0  }
0xbe: {  	s0 =	sadd.s32 $0x8F2B, s0  }
0xbf: {  	[sflag:s0] =	ssyncadd.remote.s32 $0x1  }
0xc0: {  	_ =	sfence.sel $0xFFFF  }
0xc1: {  	[dreg:$0x0] =	wrdreg $0xFFFFFFFF;
	(pc) =	sbr.abs _section_cstart, $3  }
0xc2: {  	[dreg:$0x1] =	wrdreg $0xFFFFFFFF  }
0xc3: {  	_ =	task.clear_ibuf [dreg:s8], $0x2FFFF;
	_ =	strace $0x9FFFFFFF  }
0xc4: {  	(tm) =	ssettm $0x7FFFFFFF  }
0xc5: {  	_ =	shalt  }
tec
execute0_lowered:
.L_overlay_start_1:
0x0: {  	(tag) =	ssettag $0x1  }
0x1: {  	s1 =	rddreg [dreg:$0x0]  }
0x2: {  	s0 =	srdreg.scid;
	s2 =	rddreg [dreg:$0x1]  }
0x3: {  	s12 =	stileid.u32;
	s14 =	rddreg [dreg:$0x2];
	s16 =	simm.s32 $0x9  }
0x4: {  	s17 =	simm.s32 $0x80;
	s18 =	simm.s32 $0xC800;
	s19 =	simm.s32 $0x10800  }
0x5: {  	s21 =	simm.s32 $0x14800;
	s29 =	simm.s32 $0x3;
	s11 =	smul.u32 $0xC80000, s12  }
0x6: {  	s30 =	simm.s32 $0x6;
	s0 =	sand.u32 $0x1, s0;
	s13 =	smul.u32 $0x190000, s12  }
0x7: {  	s20 =	simm.s32 $0x8;
	s3 =	sshll.u32 s12, $0x1;
	s28 =	smul.u32 $0x640000, s0  }
0x8: {  	s4 =	sor.u32 s0, s3;
	s7 =	ssub.s32 $0x2, s0;
	s0 =	smul.u32 $0xC8000, s0  }
0x9: {  	s31 =	simm.s32 $0x0;
	s3 =	simm.s32 $0x0;
	s5 =	smul.u32 $0xC800, s4  }
0xa: {  	[smem:$0x7FF] =	sst s3;
	s23 =	sshrl.u32 s7, $0x1;
	s24 =	smul.u32 $0x640000, s4  }
0xb: {  	s4 =	smul.u32 $0xC8000, s4;
	s15 =	sadd.s32 s13, s14;
	_ =	strace $0x80000047  }
0xc: {  	s15 =	sadd.s32 s0, s15;
	s0 =	simm.s32 $0x7;
	s6 =	sshrl.u32 s5, $0x3  }
0xd: {  	s25 =	sshll.u32 s5, $0x4;
	s4 =	sadd.s32 s14, s4;
	s1 =	sadd.s32 s6, s1  }
0xe: {  	s6 =	ssub.s32 s7, s23;
	s9 =	sadd.s32 s25, s14;
	s12 =	sadd.s32 $0xC7000, s4  }
0xf: {  	s13 =	sadd.s32 $0xC7800, s4;
	s23 =	simm.s32 $0x18800;
	s25 =	simm.s32 $0x2  }
0x10: {  	s1 =	sadd.s32 $0x400, s1;
	s26 =	smax.u32 s6, $0x1;
	s7 =	sadd.s32 $0x800, s9  }
0x11: {  	s8 =	sadd.s32 $0x1000, s9;
	[dreg:$0x4] =	wrdreg s1;
	s1 =	sshrl.u32 s24, $0x3  }
0x12: {  	s9 =	sadd.s32 $0x1800, s9;
	s6 =	sadd.s32 s14, s1;
	s1 =	sadd.s32 s28, s11  }
0x13: {  	[dreg:$0x5] =	wrdreg s26;
	s24 =	simm.s32 $0x1;
	s1 =	sor.u32 $0x10000, s1  }
0x14: {  	s26 =	simm.s32 $0x5;
	s11 =	sadd.s32 $0xC6800, s4;
	s1 =	sshrl.u32 s1, $0x3  }
0x15: {  	s10 =	sadd.s32 $0xC6000, s6;
	s14 =	sadd.s32 s1, s14;
	s1 =	simm.s32 $0x4  }
.LBB2_1:
0x16: {  	s4 =	rddreg [dreg:$0x4]  }
0x17: {  	[tilespmem:s3], [sflag:$0x9] =	stream.linear.gather [hbm4b:s4+s3], $0xC800, $0x38;
	[tilespmem:$0x1C800] =	vst v63  }
0x18: {  	_ =	swait.ge [sflag:s16], $0xC800  }
0x19: {  	[sflag:s16] =	ssyncset.done $0x0  }
0x1a: {  	[sflag:s16] =	ssyncadd.s32 $0xFFFF3800  }
0x1b: {  	[tilespmem:s18], [sflag:$0x1] =	stream.indirect.gather [hbm4b:s2+s17], $0x80, s3, s17, $0xb8;
	[tilespmem:$0x1C800] =	vst v63  }
0x1c: {  	_ = 	snop  }
0x1d: {  	[tilespmem:s19], [sflag:$0x2] =	stream.indirect.gather [hbm4b:s2+s17], $0x80, s17, s17, $0xb8;
	[tilespmem:$0x1C800] =	vst v63  }
0x1e: {  	s22 =	simm.s32 $0x100  }
0x1f: {  	[tilespmem:s21], [sflag:$0x3] =	stream.indirect.gather [hbm4b:s2+s17], $0x80, s22, s17, $0xb8;
	[tilespmem:$0x1C800] =	vst v63  }
0x20: {  	s5 =	simm.s32 $0x180  }
0x21: {  	[tilespmem:s23], [sflag:$0x4] =	stream.indirect.gather [hbm4b:s2+s17], $0x80, s5, s17, $0xb8;
	[tilespmem:$0x1C800] =	vst v63  }
0x22: {  	_ =	swait.ge [sflag:s24], $0x4000  }
0x23: {  	[sflag:s24] =	ssyncset.done $0x0  }
0x24: {  	[sflag:s24] =	ssyncadd.s32 $0xFFFFC000  }
0x25: {  	[hbm4b:s6+s3] =	stream.linear.scatter [tilespmem:s18], [sflag:$0x5], $0x4000, $0x38;
	[tilespmem:$0x1C800] =	vst v63  }
0x26: {  	_ =	swait.ge [sflag:s25], $0x4000  }
0x27: {  	[sflag:s25] =	ssyncset.done $0x0  }
0x28: {  	[sflag:s25] =	ssyncadd.s32 $0xFFFFC000  }
0x29: {  	[hbm4b:s7+s3] =	stream.linear.scatter [tilespmem:s19], [sflag:$0x6], $0x4000, $0x38;
	[tilespmem:$0x1C800] =	vst v63  }
0x2a: {  	_ =	swait.ge [sflag:s26], $0x4000  }
0x2b: {  	[sflag:s26] =	ssyncset.done $0x0  }
0x2c: {  	s22 =	simm.s32 $0x200;
	[sflag:s26] =	ssyncadd.s32 $0xFFFFC000  }
0x2d: {  	[tilespmem:s18], [sflag:$0x1] =	stream.indirect.gather [hbm4b:s2+s17], $0x80, s22, s17, $0xb8;
	[tilespmem:$0x1C800] =	vst v63  }
0x2e: {  	_ =	swait.ge [sflag:s29], $0x4000  }
0x2f: {  	[sflag:s29] =	ssyncset.done $0x0  }
0x30: {  	[sflag:s29] =	ssyncadd.s32 $0xFFFFC000  }
0x31: {  	[hbm4b:s8+s3] =	stream.linear.scatter [tilespmem:s21], [sflag:$0x7], $0x4000, $0x38;
	[tilespmem:$0x1C800] =	vst v63  }
0x32: {  	_ =	swait.ge [sflag:s30], $0x4000  }
0x33: {  	[sflag:s30] =	ssyncset.done $0x0  }
0x34: {  	s5 =	simm.s32 $0x280;
	[sflag:s30] =	ssyncadd.s32 $0xFFFFC000  }
0x35: {  	[tilespmem:s19], [sflag:$0x2] =	stream.indirect.gather [hbm4b:s2+s17], $0x80, s5, s17, $0xb8;
	[tilespmem:$0x1C800] =	vst v63  }
0x36: {  	_ =	swait.ge [sflag:s1], $0x4000  }
0x37: {  	[sflag:s1] =	ssyncset.done $0x0  }
0x38: {  	[sflag:s1] =	ssyncadd.s32 $0xFFFFC000  }
0x39: {  	[hbm4b:s9+s3] =	stream.linear.scatter [tilespmem:s23], [sflag:$0x8], $0x4000, $0x38;
	[tilespmem:$0x1C800] =	vst v63  }
0x3a: {  	_ =	swait.ge [sflag:s0], $0x4000  }
0x3b: {  	[sflag:s0] =	ssyncset.done $0x0  }
0x3c: {  	s22 =	simm.s32 $0x300;
	[sflag:s0] =	ssyncadd.s32 $0xFFFFC000  }
0x3d: {  	[tilespmem:s21], [sflag:$0x3] =	stream.indirect.gather [hbm4b:s2+s17], $0x80, s22, s17, $0xb8;
	[tilespmem:$0x1C800] =	vst v63  }
0x3e: {  	_ =	swait.ge [sflag:s24], $0x4000  }
0x3f: {  	[sflag:s24] =	ssyncset.done $0x0  }
0x40: {  	s5 =	sadd.s32 $0x0, s14;
	[sflag:s24] =	ssyncadd.s32 $0xFFFFC000  }
0x41: {  	[hbm4b:s5+s3] =	stream.linear.scatter [tilespmem:s18], [sflag:$0x5], $0x4000, $0x38;
	[tilespmem:$0x1C800] =	vst v63  }
0x42: {  	_ =	swait.ge [sflag:s20], $0x4000  }
0x43: {  	[sflag:s20] =	ssyncset.done $0x0  }
0x44: {  	s22 =	simm.s32 $0x380;
	[sflag:s20] =	ssyncadd.s32 $0xFFFFC000  }
0x45: {  	[tilespmem:s23], [sflag:$0x4] =	stream.indirect.gather [hbm4b:s2+s17], $0x80, s22, s17, $0xb8;
	[tilespmem:$0x1C800] =	vst v63  }
0x46: {  	_ =	swait.ge [sflag:s25], $0x4000  }
0x47: {  	s4 =	sadd.s32 $0x0, s15;
	[sflag:s25] =	ssyncset.done $0x0  }
0x48: {  	s22 =	sadd.s32 $0x2800, s4;
	[sflag:s25] =	ssyncadd.s32 $0xFFFFC000  }
0x49: {  	[hbm4b:s22+s3] =	stream.linear.scatter [tilespmem:s19], [sflag:$0x6], $0x4000, $0x38;
	[tilespmem:$0x1C800] =	vst v63  }
0x4a: {  	_ =	swait.ge [sflag:s26], $0x4000  }
0x4b: {  	[sflag:s26] =	ssyncset.done $0x0  }
0x4c: {  	s5 =	simm.s32 $0x400;
	[sflag:s26] =	ssyncadd.s32 $0xFFFFC000  }
0x4d: {  	[tilespmem:s18], [sflag:$0x1] =	stream.indirect.gather [hbm4b:s2+s17], $0x80, s5, s17, $0xb8;
	[tilespmem:$0x1C800] =	vst v63  }
0x4e: {  	_ =	swait.ge [sflag:s29], $0x4000  }
0x4f: {  	[sflag:s29] =	ssyncset.done $0x0  }
0x50: {  	s5 =	sadd.s32 $0x3000, s4;
	[sflag:s29] =	ssyncadd.s32 $0xFFFFC000  }
0x51: {  	[hbm4b:s5+s3] =	stream.linear.scatter [tilespmem:s21], [sflag:$0x7], $0x4000, $0x38;
	[tilespmem:$0x1C800] =	vst v63  }
0x52: {  	_ =	swait.ge [sflag:s30], $0x4000  }
0x53: {  	[sflag:s30] =	ssyncset.done $0x0  }
0x54: {  	s5 =	simm.s32 $0x480;
	[sflag:s30] =	ssyncadd.s32 $0xFFFFC000  }
0x55: {  	[tilespmem:s19], [sflag:$0x2] =	stream.indirect.gather [hbm4b:s2+s17], $0x80, s5, s17, $0xb8;
	[tilespmem:$0x1C800] =	vst v63  }
0x56: {  	_ =	swait.ge [sflag:s1], $0x4000  }
0x57: {  	s28 =	simm.s32 $0x680;
	[sflag:s1] =	ssyncset.done $0x0  }
0x58: {  	s22 =	simm.s32 $0x2000;
	s4 =	sadd.s32 $0x3800, s4;
	[sflag:s1] =	ssyncadd.s32 $0xFFFFC000  }
.LBB2_2:
0x59: {  	[hbm4b:s4+s3] =	stream.linear.scatter [tilespmem:s23], [sflag:$0x8], $0x4000, $0x38;
	[tilespmem:$0x1C800] =	vst v63  }
0x5a: {  	s4 =	smov.u32 s22  }
0x5b: {  	p0 =	sne.s32 s22, $0xC2000;
	s22 =	sadd.s32 $0x2000, s22;
	_ =	swait.ge [sflag:s0], $0x4000  }
0x5c: {  	[sflag:s0] =	ssyncset.done $0x0  }
0x5d: {  	s5 =	sadd.s32 $0xFFFFFE80, s28;
	[sflag:s0] =	ssyncadd.s32 $0xFFFFC000  }
0x5e: {  	[tilespmem:s21], [sflag:$0x3] =	stream.indirect.gather [hbm4b:s2+s17], $0x80, s5, s17, $0xb8;
	[tilespmem:$0x1C800] =	vst v63  }
0x5f: {  	_ =	swait.ge [sflag:s24], $0x4000  }
0x60: {  	[sflag:s24] =	ssyncset.done $0x0  }
0x61: {  	s5 =	sadd.s32 s4, s14;
	[sflag:s24] =	ssyncadd.s32 $0xFFFFC000  }
0x62: {  	[hbm4b:s5+s3] =	stream.linear.scatter [tilespmem:s18], [sflag:$0x5], $0x4000, $0x38;
	[tilespmem:$0x1C800] =	vst v63  }
0x63: {  	_ =	swait.ge [sflag:s20], $0x4000  }
0x64: {  	[sflag:s20] =	ssyncset.done $0x0  }
0x65: {  	s5 =	sadd.s32 $0xFFFFFF00, s28;
	[sflag:s20] =	ssyncadd.s32 $0xFFFFC000  }
0x66: {  	[tilespmem:s23], [sflag:$0x4] =	stream.indirect.gather [hbm4b:s2+s17], $0x80, s5, s17, $0xb8;
	[tilespmem:$0x1C800] =	vst v63  }
0x67: {  	_ =	swait.ge [sflag:s25], $0x4000  }
0x68: {  	s4 =	sadd.s32 s4, s15;
	[sflag:s25] =	ssyncset.done $0x0  }
0x69: {  	s5 =	sadd.s32 $0x2800, s4;
	[sflag:s25] =	ssyncadd.s32 $0xFFFFC000  }
0x6a: {  	[hbm4b:s5+s3] =	stream.linear.scatter [tilespmem:s19], [sflag:$0x6], $0x4000, $0x38;
	[tilespmem:$0x1C800] =	vst v63  }
0x6b: {  	_ =	swait.ge [sflag:s26], $0x4000  }
0x6c: {  	[sflag:s26] =	ssyncset.done $0x0  }
0x6d: {  	s5 =	sadd.s32 $0xFFFFFF80, s28;
	[sflag:s26] =	ssyncadd.s32 $0xFFFFC000  }
0x6e: {  	[tilespmem:s18], [sflag:$0x1] =	stream.indirect.gather [hbm4b:s2+s17], $0x80, s5, s17, $0xb8;
	[tilespmem:$0x1C800] =	vst v63  }
0x6f: {  	_ =	swait.ge [sflag:s29], $0x4000  }
0x70: {  	[sflag:s29] =	ssyncset.done $0x0  }
0x71: {  	s5 =	sadd.s32 $0x3000, s4;
	[sflag:s29] =	ssyncadd.s32 $0xFFFFC000  }
0x72: {  	[hbm4b:s5+s3] =	stream.linear.scatter [tilespmem:s21], [sflag:$0x7], $0x4000, $0x38;
	[tilespmem:$0x1C800] =	vst v63  }
0x73: {  	_ =	swait.ge [sflag:s30], $0x4000  }
0x74: {  	[sflag:s30] =	ssyncset.done $0x0  }
.Ltmp0:
0x75: {  	[sflag:s30] =	ssyncadd.s32 $0xFFFFC000;
	(pc) =	sbr.rel @p0 .LBB2_2-.Ltmp0, $4  }
0x76: {  	[tilespmem:s19], [sflag:$0x2] =	stream.indirect.gather [hbm4b:s2+s17], $0x80, s28, s17, $0xb8;
	[tilespmem:$0x1C800] =	vst v63  }
0x77: {  	_ =	swait.ge [sflag:s1], $0x4000  }
0x78: {  	[sflag:s1] =	ssyncset.done $0x0  }
0x79: {  	s4 =	sadd.s32 $0x3800, s4;
	s28 =	sadd.s32 $0x200, s28;
	[sflag:s1] =	ssyncadd.s32 $0xFFFFC000  }
0x7a: {  	[hbm4b:s4+s3] =	stream.linear.scatter [tilespmem:s23], [sflag:$0x8], $0x4000, $0x38;
	[tilespmem:$0x1C800] =	vst v63  }
0x7b: {  	_ =	swait.ge [sflag:s0], $0x4000  }
0x7c: {  	[sflag:s0] =	ssyncset.done $0x0  }
0x7d: {  	s5 =	simm.s32 $0xC700;
	[sflag:s0] =	ssyncadd.s32 $0xFFFFC000  }
0x7e: {  	[tilespmem:s21], [sflag:$0x3] =	stream.indirect.gather [hbm4b:s2+s17], $0x80, s5, s17, $0xb8;
	[tilespmem:$0x1C800] =	vst v63  }
0x7f: {  	_ =	swait.ge [sflag:s24], $0x4000  }
0x80: {  	[sflag:s24] =	ssyncset.done $0x0  }
0x81: {  	[sflag:s24] =	ssyncadd.s32 $0xFFFFC000  }
0x82: {  	[hbm4b:s10+s3] =	stream.linear.scatter [tilespmem:s18], [sflag:$0x5], $0x4000, $0x38;
	[tilespmem:$0x1C800] =	vst v63  }
0x83: {  	_ =	swait.ge [sflag:s20], $0x4000  }
0x84: {  	[sflag:s20] =	ssyncset.done $0x0  }
0x85: {  	s22 =	simm.s32 $0xC780;
	[sflag:s20] =	ssyncadd.s32 $0xFFFFC000  }
0x86: {  	[tilespmem:s23], [sflag:$0x4] =	stream.indirect.gather [hbm4b:s2+s17], $0x80, s22, s17, $0xb8;
	[tilespmem:$0x1C800] =	vst v63  }
0x87: {  	_ =	swait.ge [sflag:s25], $0x4000  }
0x88: {  	[sflag:s25] =	ssyncset.done $0x0  }
0x89: {  	[sflag:s25] =	ssyncadd.s32 $0xFFFFC000  }
0x8a: {  	[hbm4b:s11+s3] =	stream.linear.scatter [tilespmem:s19], [sflag:$0x6], $0x4000, $0x38;
	[tilespmem:$0x1C800] =	vst v63  }
0x8b: {  	_ =	swait.ge [sflag:s26], $0x4000  }
0x8c: {  	[sflag:s26] =	ssyncset.done $0x0  }
0x8d: {  	[sflag:s26] =	ssyncadd.s32 $0xFFFFC000  }
0x8e: {  	_ =	swait.ge [sflag:s29], $0x4000  }
0x8f: {  	[sflag:s29] =	ssyncset.done $0x0  }
0x90: {  	[sflag:s29] =	ssyncadd.s32 $0xFFFFC000  }
0x91: {  	[hbm4b:s12+s3] =	stream.linear.scatter [tilespmem:s21], [sflag:$0x7], $0x4000, $0x38;
	[tilespmem:$0x1C800] =	vst v63  }
0x92: {  	_ =	swait.ge [sflag:s30], $0x4000  }
0x93: {  	[sflag:s30] =	ssyncset.done $0x0  }
0x94: {  	[sflag:s30] =	ssyncadd.s32 $0xFFFFC000  }
0x95: {  	_ =	swait.ge [sflag:s1], $0x4000  }
0x96: {  	[sflag:s1] =	ssyncset.done $0x0  }
0x97: {  	[sflag:s1] =	ssyncadd.s32 $0xFFFFC000  }
0x98: {  	[hbm4b:s13+s3] =	stream.linear.scatter [tilespmem:s23], [sflag:$0x8], $0x4000, $0x38;
	[tilespmem:$0x1C800] =	vst v63  }
0x99: {  	_ =	swait.ge [sflag:s0], $0x4000  }
0x9a: {  	[sflag:s0] =	ssyncset.done $0x0  }
0x9b: {  	[sflag:s0] =	ssyncadd.s32 $0xFFFFC000  }
0x9c: {  	_ =	swait.ge [sflag:s20], $0x4000  }
0x9d: {  	s31 =	sadd.s32 $0x1, s31;
	s28 =	rddreg [dreg:$0x5]  }
0x9e: {  	p0 =	sne.s32 s31, s28  }
.Ltmp1:
0x9f: {  	_ = 	snop;
	(pc) =	sbr.rel @p0 .LBB2_1-.Ltmp1, $3  }
0xa0: {  	_ =	sdelay $0x1  }
0xa1: {  	[sflag:s20] =	ssyncset.done $0x0  }
0xa2: {  	[sflag:s20] =	ssyncadd.s32 $0xFFFFC000  }
0xa3: {  	_ =	sfence.sel $0x180000  }
0xa4: {  	[bflag:$0x0] =	sbarrier.arrive $0xFFFF  }
0xa5: {  	_ =	strace $0x90000047  }
0xa6: {  	s0 =	stileid.u32;
	[bflag:$0x2] =	sbarrier.arrive $0xFFFF  }
0xa7: {  	p0 =	sne.s32 s0, $0x0;
	s0 =	rddreg [dreg:$0x3]  }
0xa8: {  	s0 =	sadd.s32 @!p0 $0x100000, s0  }
0xa9: {  	[sflag:s0] =	ssyncadd.tile.s32 @!p0 $0x1;
	_ =	shalt  }
.Lfunc_end2:
_tile_overlayer_lowered:
.L_overlay_start_2:
0xaa: {  	(tag) =	ssettag $0x2  }
0xab: {  	s0 =	rddreg [dreg:$0x0];
	s2 =	stileid.u32  }
0xac: {  	s1 =	rddreg [dreg:$0x1];
	p0 =	sne.s32 s2, $0x0  }
0xad: {  	s3 =	rddreg [dreg:$0x2];
	[bflag:$0x3] =	sbarrier.arrive $0xFFFF;
	s2 =	simm.s32 @!p0 $0x1C09  }
0xae: {  	[timem:s3], [sflag:s2] =	dma.local @!p0 [hbm:s0], s1  }
0xaf: {  	s0 =	simm.s32 @!p0 $0x9  }
0xb0: {  	_ =	swait.ge @!p0 [sflag:s0], s1  }
0xb1: {  	s1 =	ssub.s32 @!p0 $0x0, s1;
	[sflag:s0] =	ssyncset.done @!p0 $0x0  }
0xb2: {  	[sflag:s0] =	ssyncadd.s32 @!p0 s1  }
0xb3: {  	[bflag:$0x3] =	sbarrier.arrive $0xFFFF  }
0xb4: {  	_ =	shalt  }

</sc_bundles>
